<compile_context>
chip_gen: v7x
topology: tpu7x:2x2x1
jax: 0.10.2.dev20260603
libtpu: 0.0.44.dev20260713+nightly
codegen_flags: <defaults>
</compile_context>

<pallas_src>
import functools

import jax
import jax.numpy as jnp
import numpy as np
from jax import lax
from jax.experimental import pallas as pl
from jax.experimental.pallas import tpu as pltpu
from jax.experimental.pallas import tpu_sc as plsc

_CUTOFF = 10.0
_NW = 32
_CH = 128


def _silu(x):
    return x / (1.0 + jnp.exp(-x))


def _ln(x, g, b, eps=1e-5):
    mu = jnp.mean(x, axis=-1, keepdims=True)
    xc = x - mu
    var = jnp.mean(xc * xc, axis=-1, keepdims=True)
    return xc * lax.rsqrt(var + eps) * g + b


def _vl_body(v3_ref, wvl_ref, out_ref):
    w = wvl_ref[...]
    out_ref[...] = jnp.concatenate(
        [jnp.dot(v3_ref[k], w, preferred_element_type=jnp.float32)
         for k in range(3)], axis=1)


def _vl_transform(v3, w_vl, bn):
    n = v3.shape[1]
    h = v3.shape[2]
    return pl.pallas_call(
        _vl_body,
        grid=(n // bn,),
        in_specs=[
            pl.BlockSpec((3, bn, h), lambda i: (0, i, 0)),
            pl.BlockSpec((h, h), lambda i: (0, 0)),
        ],
        out_specs=pl.BlockSpec((bn, 3 * h), lambda i: (i, 0)),
        out_shape=jax.ShapeDtypeStruct((n, 3 * h), jnp.float32),
    )(v3, w_vl)


def _gather_body(sp, vpf, src2, dst2, o_ssrc, o_sdst, o_vps,
                 isrc, idst, r1, r2, r3, sem1, sem2, sem3):
    rows = src2.shape[0] // _NW
    wid = lax.axis_index("s") * 2 + lax.axis_index("c")
    row0 = wid * rows
    pltpu.sync_copy(src2.at[pl.ds(row0, rows)], isrc)
    pltpu.sync_copy(dst2.at[pl.ds(row0, rows)], idst)

    def chunk(i, carry):
        e0 = (row0 + i) * _CH
        c1 = pltpu.async_copy(sp.at[isrc.at[i]], r1, sem1)
        c2 = pltpu.async_copy(sp.at[idst.at[i]], r2, sem2)
        c3 = pltpu.async_copy(vpf.at[isrc.at[i]], r3, sem3)
        c1.wait()
        c2.wait()
        c3.wait()
        pltpu.sync_copy(r1, o_ssrc.at[pl.ds(e0, _CH)])
        pltpu.sync_copy(r2, o_sdst.at[pl.ds(e0, _CH)])
        pltpu.sync_copy(r3, o_vps.at[pl.ds(e0, _CH)])
        return carry

    lax.fori_loop(0, rows, chunk, 0)


def _sc_gather(sp, vpf, src2, dst2):
    n, h = sp.shape
    ep = src2.shape[0] * _CH
    rows = src2.shape[0] // _NW
    mesh = plsc.VectorSubcoreMesh(core_axis_name="c", subcore_axis_name="s", num_cores=2, num_subcores=16)
    f = functools.partial(
        pl.kernel,
        out_type=[
            jax.ShapeDtypeStruct((ep, h), jnp.float32),
            jax.ShapeDtypeStruct((ep, h), jnp.float32),
            jax.ShapeDtypeStruct((ep, 3 * h), jnp.float32),
        ],
        mesh=mesh,
        scratch_types=[
            pltpu.VMEM((rows, _CH), jnp.int32),
            pltpu.VMEM((rows, _CH), jnp.int32),
            pltpu.VMEM((_CH, h), jnp.float32),
            pltpu.VMEM((_CH, h), jnp.float32),
            pltpu.VMEM((_CH, 3 * h), jnp.float32),
            pltpu.SemaphoreType.DMA,
            pltpu.SemaphoreType.DMA,
            pltpu.SemaphoreType.DMA,
        ],
    )(_gather_body)
    return f(sp, vpf, src2, dst2)


def _edge_body(d_ref, ev_ref, ssrc_ref, sdst_ref, vps_ref,
               cen_ref, wid_ref, wr0_ref, br0_ref, wr1_ref, br1_ref,
               wr2_ref, br2_ref, ws0a_ref, ws0b_ref, bs0_ref,
               ws1_ref, bs1_ref, out_ref):
    d = d_ref[...]
    t = (d - cen_ref[...]) / wid_ref[...]
    rbf = jnp.exp(-(t * t))
    cw = 0.5 * (jnp.cos((np.pi / _CUTOFF) * d) + 1.0)
    cw = cw * (d < _CUTOFF).astype(jnp.float32)

    h = _silu(jnp.dot(rbf, wr0_ref[...], preferred_element_type=jnp.float32)
              + br0_ref[...])
    h = _silu(jnp.dot(h, wr1_ref[...], preferred_element_type=jnp.float32)
              + br1_ref[...])
    radial = (jnp.dot(h, wr2_ref[...], preferred_element_type=jnp.float32)
              + br2_ref[...]) * cw

    ssrc = ssrc_ref[...]
    m = _silu(jnp.dot(ssrc, ws0a_ref[...], preferred_element_type=jnp.float32)
              + jnp.dot(sdst_ref[...], ws0b_ref[...],
                        preferred_element_type=jnp.float32)
              + bs0_ref[...])
    smsg = (jnp.dot(m, ws1_ref[...], preferred_element_type=jnp.float32)
            + bs1_ref[...]) * radial

    ev = ev_ref[...]
    vps = vps_ref[...]
    hh = ssrc.shape[1]
    vm = [radial * (vps[:, k * hh:(k + 1) * hh] + ev[:, k:k + 1] * ssrc)
          for k in range(3)]
    out_ref[...] = jnp.concatenate([smsg] + vm, axis=1)


def _edge_mlp(d2, ev, ssrc, sdst, vps, cen, wid, wr0, br0, wr1, br1,
              wr2, br2, ws0a, ws0b, bs0, ws1, bs1, be):
    ep, h = ssrc.shape
    r = cen.shape[1]
    full = lambda s: pl.BlockSpec(s, lambda i: tuple(0 for _ in s))
    return pl.pallas_call(
        _edge_body,
        grid=(ep // be,),
        in_specs=[
            pl.BlockSpec((be, 1), lambda i: (i, 0)),
            pl.BlockSpec((be, 3), lambda i: (i, 0)),
            pl.BlockSpec((be, h), lambda i: (i, 0)),
            pl.BlockSpec((be, h), lambda i: (i, 0)),
            pl.BlockSpec((be, 3 * h), lambda i: (i, 0)),
            full((1, r)), full((1, r)),
            full((r, h)), full((1, h)),
            full((h, h)), full((1, h)),
            full((h, h)), full((1, h)),
            full((h, h)), full((h, h)), full((1, h)),
            full((h, h)), full((1, h)),
        ],
        out_specs=pl.BlockSpec((be, 4 * h), lambda i: (i, 0)),
        out_shape=jax.ShapeDtypeStruct((ep, 4 * h), jnp.float32),
    )(d2, ev, ssrc, sdst, vps, cen, wid, wr0, br0, wr1, br1, wr2, br2,
      ws0a, ws0b, bs0, ws1, bs1)


def _scatter_body(msgs, dst2, out, idxb, mbuf, acc):
    n = out.shape[0]
    ep = msgs.shape[0]
    rows_t = ep // _CH // 16
    nt = 8 * (n // (16 * 8))
    nrem = n - 16 * nt
    nfull = nt // _CH
    ntail = nt - nfull * _CH
    cid = lax.axis_index("c")
    sid = lax.axis_index("s")
    last = sid == 15
    pltpu.sync_copy(dst2.at[pl.ds(sid * rows_t, rows_t)], idxb)

    for p in range(2):
        col = (cid * 2 + p) * _CH

        def zrow(rr, carry):
            for t in range(8):
                mbuf[rr, pl.ds(t * 16, 16)] = jnp.zeros((16,), jnp.float32)
            return carry

        lax.fori_loop(0, _CH, zrow, 0)
        for j in range(nfull):
            pltpu.sync_copy(mbuf, acc.at[pl.ds(sid * nt + j * _CH, _CH)])
        if ntail:
            pltpu.sync_copy(mbuf.at[pl.ds(0, ntail)],
                            acc.at[pl.ds(sid * nt + nfull * _CH, ntail)])
        if nrem:
            @pl.when(last)
            def _():
                pltpu.sync_copy(mbuf.at[pl.ds(0, nrem)],
                                acc.at[pl.ds(16 * nt, nrem)])
        plsc.subcore_barrier()

        def chunk(i, carry):
            e0 = (sid * rows_t + i) * _CH
            pltpu.sync_copy(msgs.at[pl.ds(e0, _CH), pl.ds(col, _CH)], mbuf)
            pltpu.sync_copy(mbuf, acc.at[idxb.at[i]], add=True)
            return carry

        lax.fori_loop(0, rows_t, chunk, 0)
        plsc.subcore_barrier()
        pltpu.sync_copy(acc.at[pl.ds(sid * nt, nt)],
                        out.at[pl.ds(sid * nt, nt), pl.ds(col, _CH)])
        if nrem:
            @pl.when(last)
            def _():
                pltpu.sync_copy(acc.at[pl.ds(16 * nt, nrem)],
                                out.at[pl.ds(16 * nt, nrem), pl.ds(col, _CH)])
        plsc.subcore_barrier()


def _sc_scatter(msgs, dst2, n):
    ep = msgs.shape[0]
    rows_t = ep // _CH // 16
    mesh = plsc.VectorSubcoreMesh(core_axis_name="c", subcore_axis_name="s", num_cores=2, num_subcores=16)
    f = functools.partial(
        pl.kernel,
        out_type=jax.ShapeDtypeStruct((n, 512), jnp.float32),
        mesh=mesh,
        scratch_types=[
            pltpu.VMEM((rows_t, _CH), jnp.int32),
            pltpu.VMEM((_CH, _CH), jnp.float32),
            pltpu.VMEM_SHARED((n, _CH), jnp.float32),
        ],
    )(_scatter_body)
    return f(msgs, dst2)


def _node_body(s_ref, agg_ref, v3_ref, wu0a_ref, wu0b_ref, bu0_ref,
               wu1_ref, bu1_ref, wvu_ref, gsn_ref, bsn_ref, gvn_ref,
               bvn_ref, so_ref, vo_ref):
    s = s_ref[...]
    ag = agg_ref[...]
    h = s.shape[1]
    u = _silu(jnp.dot(s, wu0a_ref[...], preferred_element_type=jnp.float32)
              + jnp.dot(ag[:, :h], wu0b_ref[...],
                        preferred_element_type=jnp.float32)
              + bu0_ref[...])
    s2 = s + jnp.dot(u, wu1_ref[...], preferred_element_type=jnp.float32) \
        + bu1_ref[...]
    so_ref[...] = _ln(s2, gsn_ref[...], bsn_ref[...])
    wvu = wvu_ref[...]
    outs = []
    for k in range(3):
        t = v3_ref[k] + jnp.dot(ag[:, (k + 1) * h:(k + 2) * h], wvu,
                                preferred_element_type=jnp.float32)
        outs.append(_ln(t, gvn_ref[...], bvn_ref[...]))
    vo_ref[...] = jnp.stack(outs, axis=0)


def _node_update(s, agg, v3, wu0a, wu0b, bu0, wu1, bu1, wvu,
                 gsn, bsn, gvn, bvn, bn):
    n, h = s.shape
    full = lambda sh: pl.BlockSpec(sh, lambda i: tuple(0 for _ in sh))
    return pl.pallas_call(
        _node_body,
        grid=(n // bn,),
        in_specs=[
            pl.BlockSpec((bn, h), lambda i: (i, 0)),
            pl.BlockSpec((bn, 4 * h), lambda i: (i, 0)),
            pl.BlockSpec((3, bn, h), lambda i: (0, i, 0)),
            full((h, h)), full((h, h)), full((1, h)),
            full((h, h)), full((1, h)),
            full((h, h)),
            full((1, h)), full((1, h)), full((1, h)), full((1, h)),
        ],
        out_specs=[
            pl.BlockSpec((bn, h), lambda i: (i, 0)),
            pl.BlockSpec((3, bn, h), lambda i: (0, i, 0)),
        ],
        out_shape=[
            jax.ShapeDtypeStruct((n, h), jnp.float32),
            jax.ShapeDtypeStruct((3, n, h), jnp.float32),
        ],
    )(s, agg, v3, wu0a, wu0b, bu0, wu1, bu1, wvu, gsn, bsn, gvn, bvn)


def kernel(scalar_features, vector_features, edge_index, edge_vec, edge_dist,
           centers, widths, W_r0, b_r0, W_r1, b_r1, W_r2, b_r2, W_s0, b_s0,
           W_s1, b_s1, W_vl, W_u0, b_u0, W_u1, b_u1, W_vu, g_sn, b_sn,
           g_vn, b_vn):
    n, h = scalar_features.shape
    e = edge_index.shape[1]
    nrbf = centers.shape[0]

    ep = ((e + 4095) // 4096) * 4096
    pad = ep - e
    src = jnp.concatenate([edge_index[0], jnp.zeros((pad,), jnp.int32)])
    dst = jnp.concatenate([edge_index[1], jnp.zeros((pad,), jnp.int32)])
    src2 = src.reshape(ep // _CH, _CH)
    dst2 = dst.reshape(ep // _CH, _CH)
    d2 = jnp.concatenate(
        [edge_dist, jnp.full((pad,), 10.0 * _CUTOFF, jnp.float32)]
    ).reshape(ep, 1)
    ev = jnp.concatenate([edge_vec, jnp.zeros((pad, 3), jnp.float32)])

    v3 = vector_features.transpose(2, 0, 1)

    row = lambda x: x.reshape(1, -1)
    vpf = _vl_transform(v3, W_vl, 1000)
    ssrc, sdst, vps = _sc_gather(scalar_features, vpf, src2, dst2)
    msgs = _edge_mlp(d2, ev, ssrc, sdst, vps, row(centers), row(widths),
                     W_r0, row(b_r0), W_r1, row(b_r1), W_r2, row(b_r2),
                     W_s0[:h], W_s0[h:], row(b_s0), W_s1, row(b_s1), 1024)
    agg = _sc_scatter(msgs, dst2, n)
    s_out, v3_out = _node_update(
        scalar_features, agg, v3, W_u0[:h], W_u0[h:], row(b_u0),
        W_u1, row(b_u1), W_vu, row(g_sn), row(b_sn), row(g_vn), row(b_vn),
        1000)
    return (s_out, v3_out.transpose(1, 2, 0))

# --- scband reference (transcript-rebuilt; emitter-appended) ---
"""Pipeline reference for scband-equivariant-message-block-49100066128615 (READ-ONLY COPY).

The authoritative reference and input builder live on the scoring server;
editing this copy changes nothing except your own understanding.
"""

import jax, jax.numpy as jnp
import numpy as np

N = 10000
E = 160000
H = 128
NRBF = 50
CUTOFF = 10.0


def _ln(x, g, b, eps=1e-5):
    mu = jnp.mean(x, axis=-1, keepdims=True)
    var = jnp.mean((x - mu) ** 2, axis=-1, keepdims=True)
    return (x - mu) / jnp.sqrt(var + eps) * g + b


def setup_inputs(seed: int = 0):
    key = jax.random.key(seed)
    ks = jax.random.split(key, 24)

    def w(k, fan_in, shape):
        return (jax.random.normal(k, shape, dtype=jnp.float32) / np.sqrt(fan_in)).astype(jnp.float32)

    ev = jax.random.normal(ks[3], (E, 3), dtype=jnp.float32)
    ev = ev / jnp.clip(jnp.linalg.norm(ev, axis=-1, keepdims=True), 1e-8, None)
    inp = {
        'scalar_features': jax.random.normal(ks[0], (N, H), dtype=jnp.float32),
        'vector_features': jax.random.normal(ks[1], (N, H, 3), dtype=jnp.float32),
        'edge_index': jax.random.randint(ks[2], (2, E), 0, N, dtype=jnp.int32),
        'edge_vec': ev,
        'edge_dist': jax.random.uniform(ks[4], (E,), dtype=jnp.float32, minval=0.0, maxval=CUTOFF),
        'centers': jnp.linspace(0.0, CUTOFF, NRBF).astype(jnp.float32),
        'widths': (jnp.ones((NRBF,)) * (CUTOFF / NRBF)).astype(jnp.float32),
        'W_r0': w(ks[5], NRBF, (NRBF, H)), 'b_r0': jnp.zeros((H,), jnp.float32),
        'W_r1': w(ks[6], H, (H, H)), 'b_r1': jnp.zeros((H,), jnp.float32),
        'W_r2': w(ks[7], H, (H, H)), 'b_r2': jnp.zeros((H,), jnp.float32),
        'W_s0': w(ks[8], 2 * H, (2 * H, H)), 'b_s0': jnp.zeros((H,), jnp.float32),
        'W_s1': w(ks[9], H, (H, H)), 'b_s1': jnp.zeros((H,), jnp.float32),
        'W_vl': w(ks[10], H, (H, H)),
        'W_u0': w(ks[11], 2 * H, (2 * H, H)), 'b_u0': jnp.zeros((H,), jnp.float32),
        'W_u1': w(ks[12], H, (H, H)), 'b_u1': jnp.zeros((H,), jnp.float32),
        'W_vu': w(ks[13], H, (H, H)),
        'g_sn': jnp.ones((H,), jnp.float32), 'b_sn': jnp.zeros((H,), jnp.float32),
        'g_vn': jnp.ones((H,), jnp.float32), 'b_vn': jnp.zeros((H,), jnp.float32),
    }
    return inp


def reference(scalar_features, vector_features, edge_index, edge_vec, edge_dist, centers, widths,
              W_r0, b_r0, W_r1, b_r1, W_r2, b_r2, W_s0, b_s0, W_s1, b_s1, W_vl,
              W_u0, b_u0, W_u1, b_u1, W_vu, g_sn, b_sn, g_vn, b_vn):
    src = edge_index[0]
    dst = edge_index[1]
    d = edge_dist.reshape(-1, 1)
    rbf = jnp.exp(-(((d - centers) / widths) ** 2))
    cw = (0.5 * (jnp.cos(np.pi * edge_dist / CUTOFF) + 1.0) * (edge_dist < CUTOFF).astype(jnp.float32))[:, None]
    h = jax.nn.silu(rbf @ W_r0 + b_r0)
    h = jax.nn.silu(h @ W_r1 + b_r1)
    radial = (h @ W_r2 + b_r2) * cw
    s_src = scalar_features[src]
    s_dst = scalar_features[dst]
    pair = jnp.concatenate([s_src, s_dst], axis=-1)
    m = jax.nn.silu(pair @ W_s0 + b_s0)
    scalar_msg = (m @ W_s1 + b_s1) * radial
    scalar_agg = jnp.zeros_like(scalar_features).at[dst].add(scalar_msg)
    v_src = vector_features[src]
    vt = jnp.swapaxes(jnp.swapaxes(v_src, -1, -2) @ W_vl, -1, -2)
    vector_msg = vt * radial[:, :, None]
    edge_contrib = edge_vec[:, None, :] * radial[:, :, None]
    vector_msg = vector_msg + edge_contrib * s_src[:, :, None]
    vector_agg = jnp.zeros_like(vector_features).at[dst].add(vector_msg)
    si = jnp.concatenate([scalar_features, scalar_agg], axis=-1)
    u = jax.nn.silu(si @ W_u0 + b_u0)
    s_out = _ln(scalar_features + (u @ W_u1 + b_u1), g_sn, b_sn)
    v_out = vector_features + jnp.swapaxes(jnp.swapaxes(vector_agg, -1, -2) @ W_vu, -1, -2)
    v_out = jnp.swapaxes(_ln(jnp.swapaxes(v_out, -1, -2), g_vn, b_vn), -1, -2)
    return (s_out, v_out)

if __name__ == "__main__":
    import jax
    _d = setup_inputs()
    print(jax.jit(kernel)(*tuple(_d.values())))

</pallas_src>

<mosaic_0001>
#map = affine_map<(d0, d1) -> (0, 0)>
module attributes {stable_mosaic.version = 14 : i64} {
  func.func @_gather_body(%arg0: i32, %arg1: i32, %arg2: memref<10000x128xf32, #tpu.memory_space<hbm>>, %arg3: memref<10000x384xf32, #tpu.memory_space<hbm>>, %arg4: memref<1280x128xi32, #tpu.memory_space<hbm>>, %arg5: memref<1280x128xi32, #tpu.memory_space<hbm>>, %arg6: memref<163840x128xf32, #tpu.memory_space<hbm>>, %arg7: memref<163840x128xf32, #tpu.memory_space<hbm>>, %arg8: memref<163840x384xf32, #tpu.memory_space<hbm>>, %arg9: memref<40x128xi32, #tpu.memory_space<vmem>>, %arg10: memref<40x128xi32, #tpu.memory_space<vmem>>, %arg11: memref<128x128xf32, #tpu.memory_space<vmem>>, %arg12: memref<128x128xf32, #tpu.memory_space<vmem>>, %arg13: memref<128x384xf32, #tpu.memory_space<vmem>>, %arg14: memref<!tpu.dma_semaphore, #tpu.memory_space<semaphore_mem>>, %arg15: memref<!tpu.dma_semaphore, #tpu.memory_space<semaphore_mem>>, %arg16: memref<!tpu.dma_semaphore, #tpu.memory_space<semaphore_mem>>) attributes {dimension_semantics = [#tpu.dimension_semantics<core_parallel>, #tpu.dimension_semantics<subcore_parallel>], iteration_bounds = array<i64: 2, 16>, scalar_prefetch = 0 : i64, scratch_operands = 8 : i64, tpu.core_type = #tpu.core_type<sc_vector_subcore>, window_params = [{transform_indices = #map}, {transform_indices = #map}, {transform_indices = #map}, {transform_indices = #map}, {transform_indices = #map}, {transform_indices = #map}, {transform_indices = #map}]} {
    %mul3A = arith.constant 2 : i32
    %mul3A_0 = arith.muli %arg1, %mul3A : i32
    %add3A = arith.addi %mul3A_0, %arg0 : i32
    %mul3A_1 = arith.constant 40 : i32
    %mul3A_2 = arith.muli %add3A, %mul3A_1 : i32
    "tpu.region"() ({
      %run_scoped3A = tpu.sem_alloc : memref<!tpu.dma_semaphore, #tpu.memory_space<semaphore_mem>>
      %dma_start3A = arith.constant 0 : i32
      %dma_start3A_8 = tpu.memref_slice %arg4[%mul3A_2, %dma_start3A] : memref<1280x128xi32, #tpu.memory_space<hbm>> -> memref<40x128xi32, #tpu.memory_space<hbm>>
      %dma_start3A_9 = arith.constant 0 : i32
      %dma_start3A_10 = tpu.memref_slice %arg4[%mul3A_2, %dma_start3A_9] : memref<1280x128xi32, #tpu.memory_space<hbm>> -> memref<40x128xi32, #tpu.memory_space<hbm>>
      tpu.enqueue_dma source(%dma_start3A_10 : memref<40x128xi32, #tpu.memory_space<hbm>>) target(%arg9 : memref<40x128xi32, #tpu.memory_space<vmem>>) target_semaphore(%run_scoped3A : memref<!tpu.dma_semaphore, #tpu.memory_space<semaphore_mem>>)
      %dma_wait3A = arith.constant 0 : i32
      %dma_wait3A_11 = tpu.memref_slice %arg4[%mul3A_2, %dma_wait3A] : memref<1280x128xi32, #tpu.memory_space<hbm>> -> memref<40x128xi32, #tpu.memory_space<hbm>>
      %dma_wait3A_12 = arith.constant 0 : i32
      %dma_wait3A_13 = tpu.memref_slice %arg4[%mul3A_2, %dma_wait3A_12] : memref<1280x128xi32, #tpu.memory_space<hbm>> -> memref<40x128xi32, #tpu.memory_space<hbm>>
      tpu.wait_dma2 semaphore(%run_scoped3A : memref<!tpu.dma_semaphore, #tpu.memory_space<semaphore_mem>>) src(%dma_wait3A_13 : memref<40x128xi32, #tpu.memory_space<hbm>>) dst(%arg9 : memref<40x128xi32, #tpu.memory_space<vmem>>)
      tpu.yield
    }) : () -> ()
    "tpu.region"() ({
      %run_scoped3A = tpu.sem_alloc : memref<!tpu.dma_semaphore, #tpu.memory_space<semaphore_mem>>
      %dma_start3A = arith.constant 0 : i32
      %dma_start3A_8 = tpu.memref_slice %arg5[%mul3A_2, %dma_start3A] : memref<1280x128xi32, #tpu.memory_space<hbm>> -> memref<40x128xi32, #tpu.memory_space<hbm>>
      %dma_start3A_9 = arith.constant 0 : i32
      %dma_start3A_10 = tpu.memref_slice %arg5[%mul3A_2, %dma_start3A_9] : memref<1280x128xi32, #tpu.memory_space<hbm>> -> memref<40x128xi32, #tpu.memory_space<hbm>>
      tpu.enqueue_dma source(%dma_start3A_10 : memref<40x128xi32, #tpu.memory_space<hbm>>) target(%arg10 : memref<40x128xi32, #tpu.memory_space<vmem>>) target_semaphore(%run_scoped3A : memref<!tpu.dma_semaphore, #tpu.memory_space<semaphore_mem>>)
      %dma_wait3A = arith.constant 0 : i32
      %dma_wait3A_11 = tpu.memref_slice %arg5[%mul3A_2, %dma_wait3A] : memref<1280x128xi32, #tpu.memory_space<hbm>> -> memref<40x128xi32, #tpu.memory_space<hbm>>
      %dma_wait3A_12 = arith.constant 0 : i32
      %dma_wait3A_13 = tpu.memref_slice %arg5[%mul3A_2, %dma_wait3A_12] : memref<1280x128xi32, #tpu.memory_space<hbm>> -> memref<40x128xi32, #tpu.memory_space<hbm>>
      tpu.wait_dma2 semaphore(%run_scoped3A : memref<!tpu.dma_semaphore, #tpu.memory_space<semaphore_mem>>) src(%dma_wait3A_13 : memref<40x128xi32, #tpu.memory_space<hbm>>) dst(%arg10 : memref<40x128xi32, #tpu.memory_space<vmem>>)
      tpu.yield
    }) : () -> ()
    %scan3A = arith.constant 0 : i32
    %scan3A_3 = arith.constant 0 : i32
    %scan3A_4 = arith.constant 40 : i32
    %scan3A_5 = arith.addi %scan3A_3, %scan3A_4 : i32
    %scan3A_6 = arith.constant 1 : i32
    scf.for %scan3A_8 = %scan3A_3 to %scan3A_5 step %scan3A_6  : i32 {
      %add3A_9 = arith.addi %mul3A_2, %scan3A_8 : i32
      %mul3A_10 = arith.constant 128 : i32
      %mul3A_11 = arith.muli %add3A_9, %mul3A_10 : i32
      %dma_start3A = arith.constant 0 : i32
      %dma_start3A_12 = tpu.memref_slice %arg9[%scan3A_8, %dma_start3A] : memref<40x128xi32, #tpu.memory_space<vmem>> -> memref<1x128xi32, #tpu.memory_space<vmem>>
      %dma_start3A_13 = tpu.memref_squeeze %dma_start3A_12 : memref<1x128xi32, #tpu.memory_space<vmem>> -> memref<128xi32, #tpu.memory_space<vmem>>
      %dma_start3A_14 = arith.constant 0 : i32
      %dma_start3A_15 = arith.constant 0 : i32
      %dma_start3A_16 = tpu.memref_slice %arg2[%dma_start3A_14, %dma_start3A_15] : memref<10000x128xf32, #tpu.memory_space<hbm>> -> memref<10000x128xf32, #tpu.memory_space<hbm>>
      tpu.enqueue_indirect_dma source(%dma_start3A_16 : memref<10000x128xf32, #tpu.memory_space<hbm>>) target(%arg11 : memref<128x128xf32, #tpu.memory_space<vmem>>) offsets(%dma_start3A_13 : memref<128xi32, #tpu.memory_space<vmem>>) semaphore(%arg14 : memref<!tpu.dma_semaphore, #tpu.memory_space<semaphore_mem>>)
      %dma_start3A_17 = arith.constant 0 : i32
      %dma_start3A_18 = tpu.memref_slice %arg10[%scan3A_8, %dma_start3A_17] : memref<40x128xi32, #tpu.memory_space<vmem>> -> memref<1x128xi32, #tpu.memory_space<vmem>>
      %dma_start3A_19 = tpu.memref_squeeze %dma_start3A_18 : memref<1x128xi32, #tpu.memory_space<vmem>> -> memref<128xi32, #tpu.memory_space<vmem>>
      %dma_start3A_20 = arith.constant 0 : i32
      %dma_start3A_21 = arith.constant 0 : i32
      %dma_start3A_22 = tpu.memref_slice %arg2[%dma_start3A_20, %dma_start3A_21] : memref<10000x128xf32, #tpu.memory_space<hbm>> -> memref<10000x128xf32, #tpu.memory_space<hbm>>
      tpu.enqueue_indirect_dma source(%dma_start3A_22 : memref<10000x128xf32, #tpu.memory_space<hbm>>) target(%arg12 : memref<128x128xf32, #tpu.memory_space<vmem>>) offsets(%dma_start3A_19 : memref<128xi32, #tpu.memory_space<vmem>>) semaphore(%arg15 : memref<!tpu.dma_semaphore, #tpu.memory_space<semaphore_mem>>)
      %dma_start3A_23 = arith.constant 0 : i32
      %dma_start3A_24 = tpu.memref_slice %arg9[%scan3A_8, %dma_start3A_23] : memref<40x128xi32, #tpu.memory_space<vmem>> -> memref<1x128xi32, #tpu.memory_space<vmem>>
      %dma_start3A_25 = tpu.memref_squeeze %dma_start3A_24 : memref<1x128xi32, #tpu.memory_space<vmem>> -> memref<128xi32, #tpu.memory_space<vmem>>
      %dma_start3A_26 = arith.constant 0 : i32
      %dma_start3A_27 = arith.constant 0 : i32
      %dma_start3A_28 = tpu.memref_slice %arg3[%dma_start3A_26, %dma_start3A_27] : memref<10000x384xf32, #tpu.memory_space<hbm>> -> memref<10000x384xf32, #tpu.memory_space<hbm>>
      tpu.enqueue_indirect_dma source(%dma_start3A_28 : memref<10000x384xf32, #tpu.memory_space<hbm>>) target(%arg13 : memref<128x384xf32, #tpu.memory_space<vmem>>) offsets(%dma_start3A_25 : memref<128xi32, #tpu.memory_space<vmem>>) semaphore(%arg16 : memref<!tpu.dma_semaphore, #tpu.memory_space<semaphore_mem>>)
      %dma_wait3A = arith.constant 0 : i32
      %dma_wait3A_29 = tpu.memref_slice %arg9[%scan3A_8, %dma_wait3A] : memref<40x128xi32, #tpu.memory_space<vmem>> -> memref<1x128xi32, #tpu.memory_space<vmem>>
      %dma_wait3A_30 = tpu.memref_squeeze %dma_wait3A_29 : memref<1x128xi32, #tpu.memory_space<vmem>> -> memref<128xi32, #tpu.memory_space<vmem>>
      %dma_wait3A_31 = arith.constant 0 : i32
      %dma_wait3A_32 = arith.constant 0 : i32
      %dma_wait3A_33 = tpu.memref_slice %arg2[%dma_wait3A_31, %dma_wait3A_32] : memref<10000x128xf32, #tpu.memory_space<hbm>> -> memref<10000x128xf32, #tpu.memory_space<hbm>>
      tpu.wait_indirect_dma semaphore(%arg14 : memref<!tpu.dma_semaphore, #tpu.memory_space<semaphore_mem>>) src(%dma_wait3A_33 : memref<10000x128xf32, #tpu.memory_space<hbm>>) dst(%arg11 : memref<128x128xf32, #tpu.memory_space<vmem>>)
      %dma_wait3A_34 = arith.constant 0 : i32
      %dma_wait3A_35 = tpu.memref_slice %arg10[%scan3A_8, %dma_wait3A_34] : memref<40x128xi32, #tpu.memory_space<vmem>> -> memref<1x128xi32, #tpu.memory_space<vmem>>
      %dma_wait3A_36 = tpu.memref_squeeze %dma_wait3A_35 : memref<1x128xi32, #tpu.memory_space<vmem>> -> memref<128xi32, #tpu.memory_space<vmem>>
      %dma_wait3A_37 = arith.constant 0 : i32
      %dma_wait3A_38 = arith.constant 0 : i32
      %dma_wait3A_39 = tpu.memref_slice %arg2[%dma_wait3A_37, %dma_wait3A_38] : memref<10000x128xf32, #tpu.memory_space<hbm>> -> memref<10000x128xf32, #tpu.memory_space<hbm>>
      tpu.wait_indirect_dma semaphore(%arg15 : memref<!tpu.dma_semaphore, #tpu.memory_space<semaphore_mem>>) src(%dma_wait3A_39 : memref<10000x128xf32, #tpu.memory_space<hbm>>) dst(%arg12 : memref<128x128xf32, #tpu.memory_space<vmem>>)
      %dma_wait3A_40 = arith.constant 0 : i32
      %dma_wait3A_41 = tpu.memref_slice %arg9[%scan3A_8, %dma_wait3A_40] : memref<40x128xi32, #tpu.memory_space<vmem>> -> memref<1x128xi32, #tpu.memory_space<vmem>>
      %dma_wait3A_42 = tpu.memref_squeeze %dma_wait3A_41 : memref<1x128xi32, #tpu.memory_space<vmem>> -> memref<128xi32, #tpu.memory_space<vmem>>
      %dma_wait3A_43 = arith.constant 0 : i32
      %dma_wait3A_44 = arith.constant 0 : i32
      %dma_wait3A_45 = tpu.memref_slice %arg3[%dma_wait3A_43, %dma_wait3A_44] : memref<10000x384xf32, #tpu.memory_space<hbm>> -> memref<10000x384xf32, #tpu.memory_space<hbm>>
      tpu.wait_indirect_dma semaphore(%arg16 : memref<!tpu.dma_semaphore, #tpu.memory_space<semaphore_mem>>) src(%dma_wait3A_45 : memref<10000x384xf32, #tpu.memory_space<hbm>>) dst(%arg13 : memref<128x384xf32, #tpu.memory_space<vmem>>)
      "tpu.region"() ({
        %run_scoped3A = tpu.sem_alloc : memref<!tpu.dma_semaphore, #tpu.memory_space<semaphore_mem>>
        %dma_start3A_46 = arith.constant 0 : i32
        %dma_start3A_47 = tpu.memref_slice %arg6[%mul3A_11, %dma_start3A_46] : memref<163840x128xf32, #tpu.memory_space<hbm>> -> memref<128x128xf32, #tpu.memory_space<hbm>>
        %dma_start3A_48 = arith.constant 0 : i32
        %dma_start3A_49 = tpu.memref_slice %arg6[%mul3A_11, %dma_start3A_48] : memref<163840x128xf32, #tpu.memory_space<hbm>> -> memref<128x128xf32, #tpu.memory_space<hbm>>
        tpu.enqueue_dma source(%arg11 : memref<128x128xf32, #tpu.memory_space<vmem>>) target(%dma_start3A_49 : memref<128x128xf32, #tpu.memory_space<hbm>>) target_semaphore(%run_scoped3A : memref<!tpu.dma_semaphore, #tpu.memory_space<semaphore_mem>>)
        %dma_wait3A_50 = arith.constant 0 : i32
        %dma_wait3A_51 = tpu.memref_slice %arg6[%mul3A_11, %dma_wait3A_50] : memref<163840x128xf32, #tpu.memory_space<hbm>> -> memref<128x128xf32, #tpu.memory_space<hbm>>
        %dma_wait3A_52 = arith.constant 0 : i32
        %dma_wait3A_53 = tpu.memref_slice %arg6[%mul3A_11, %dma_wait3A_52] : memref<163840x128xf32, #tpu.memory_space<hbm>> -> memref<128x128xf32, #tpu.memory_space<hbm>>
        tpu.wait_dma2 semaphore(%run_scoped3A : memref<!tpu.dma_semaphore, #tpu.memory_space<semaphore_mem>>) src(%arg11 : memref<128x128xf32, #tpu.memory_space<vmem>>) dst(%dma_wait3A_53 : memref<128x128xf32, #tpu.memory_space<hbm>>)
        tpu.yield
      }) : () -> ()
      "tpu.region"() ({
        %run_scoped3A = tpu.sem_alloc : memref<!tpu.dma_semaphore, #tpu.memory_space<semaphore_mem>>
        %dma_start3A_46 = arith.constant 0 : i32
        %dma_start3A_47 = tpu.memref_slice %arg7[%mul3A_11, %dma_start3A_46] : memref<163840x128xf32, #tpu.memory_space<hbm>> -> memref<128x128xf32, #tpu.memory_space<hbm>>
        %dma_start3A_48 = arith.constant 0 : i32
        %dma_start3A_49 = tpu.memref_slice %arg7[%mul3A_11, %dma_start3A_48] : memref<163840x128xf32, #tpu.memory_space<hbm>> -> memref<128x128xf32, #tpu.memory_space<hbm>>
        tpu.enqueue_dma source(%arg12 : memref<128x128xf32, #tpu.memory_space<vmem>>) target(%dma_start3A_49 : memref<128x128xf32, #tpu.memory_space<hbm>>) target_semaphore(%run_scoped3A : memref<!tpu.dma_semaphore, #tpu.memory_space<semaphore_mem>>)
        %dma_wait3A_50 = arith.constant 0 : i32
        %dma_wait3A_51 = tpu.memref_slice %arg7[%mul3A_11, %dma_wait3A_50] : memref<163840x128xf32, #tpu.memory_space<hbm>> -> memref<128x128xf32, #tpu.memory_space<hbm>>
        %dma_wait3A_52 = arith.constant 0 : i32
        %dma_wait3A_53 = tpu.memref_slice %arg7[%mul3A_11, %dma_wait3A_52] : memref<163840x128xf32, #tpu.memory_space<hbm>> -> memref<128x128xf32, #tpu.memory_space<hbm>>
        tpu.wait_dma2 semaphore(%run_scoped3A : memref<!tpu.dma_semaphore, #tpu.memory_space<semaphore_mem>>) src(%arg12 : memref<128x128xf32, #tpu.memory_space<vmem>>) dst(%dma_wait3A_53 : memref<128x128xf32, #tpu.memory_space<hbm>>)
        tpu.yield
      }) : () -> ()
      "tpu.region"() ({
        %run_scoped3A = tpu.sem_alloc : memref<!tpu.dma_semaphore, #tpu.memory_space<semaphore_mem>>
        %dma_start3A_46 = arith.constant 0 : i32
        %dma_start3A_47 = tpu.memref_slice %arg8[%mul3A_11, %dma_start3A_46] : memref<163840x384xf32, #tpu.memory_space<hbm>> -> memref<128x384xf32, #tpu.memory_space<hbm>>
        %dma_start3A_48 = arith.constant 0 : i32
        %dma_start3A_49 = tpu.memref_slice %arg8[%mul3A_11, %dma_start3A_48] : memref<163840x384xf32, #tpu.memory_space<hbm>> -> memref<128x384xf32, #tpu.memory_space<hbm>>
        tpu.enqueue_dma source(%arg13 : memref<128x384xf32, #tpu.memory_space<vmem>>) target(%dma_start3A_49 : memref<128x384xf32, #tpu.memory_space<hbm>>) target_semaphore(%run_scoped3A : memref<!tpu.dma_semaphore, #tpu.memory_space<semaphore_mem>>)
        %dma_wait3A_50 = arith.constant 0 : i32
        %dma_wait3A_51 = tpu.memref_slice %arg8[%mul3A_11, %dma_wait3A_50] : memref<163840x384xf32, #tpu.memory_space<hbm>> -> memref<128x384xf32, #tpu.memory_space<hbm>>
        %dma_wait3A_52 = arith.constant 0 : i32
        %dma_wait3A_53 = tpu.memref_slice %arg8[%mul3A_11, %dma_wait3A_52] : memref<163840x384xf32, #tpu.memory_space<hbm>> -> memref<128x384xf32, #tpu.memory_space<hbm>>
        tpu.wait_dma2 semaphore(%run_scoped3A : memref<!tpu.dma_semaphore, #tpu.memory_space<semaphore_mem>>) src(%arg13 : memref<128x384xf32, #tpu.memory_space<vmem>>) dst(%dma_wait3A_53 : memref<128x384xf32, #tpu.memory_space<hbm>>)
        tpu.yield
      }) : () -> ()
    }
    %scan3A_7 = arith.constant 40 : i32
    return
  }
}

#map = affine_map<(d0, d1) -> (0, 0)>
module attributes {stable_mosaic.version = 14 : i64} {
  func.func @_scatter_body(%arg0: i32, %arg1: i32, %arg2: memref<163840x512xf32, #tpu.memory_space<hbm>>, %arg3: memref<1280x128xi32, #tpu.memory_space<hbm>>, %arg4: memref<10000x512xf32, #tpu.memory_space<hbm>>, %arg5: memref<80x128xi32, #tpu.memory_space<vmem>>, %arg6: memref<128x128xf32, #tpu.memory_space<vmem>>, %arg7: memref<10000x128xf32, #tpu.memory_space<vmem_shared>>) attributes {dimension_semantics = [#tpu.dimension_semantics<core_parallel>, #tpu.dimension_semantics<subcore_parallel>], iteration_bounds = array<i64: 2, 16>, scalar_prefetch = 0 : i64, scratch_operands = 3 : i64, tpu.core_type = #tpu.core_type<sc_vector_subcore>, window_params = [{transform_indices = #map}, {transform_indices = #map}, {transform_indices = #map}]} {
    %eq3A = arith.constant 15 : i32
    %eq3A_0 = arith.cmpi eq, %arg1, %eq3A : i32
    %mul3A = arith.constant 80 : i32
    %mul3A_1 = arith.muli %arg1, %mul3A : i32
    "tpu.region"() ({
      %run_scoped3A = tpu.sem_alloc : memref<!tpu.dma_semaphore, #tpu.memory_space<semaphore_mem>>
      %dma_start3A = arith.constant 0 : i32
      %dma_start3A_99 = tpu.memref_slice %arg3[%mul3A_1, %dma_start3A] : memref<1280x128xi32, #tpu.memory_space<hbm>> -> memref<80x128xi32, #tpu.memory_space<hbm>>
      %dma_start3A_100 = arith.constant 0 : i32
      %dma_start3A_101 = tpu.memref_slice %arg3[%mul3A_1, %dma_start3A_100] : memref<1280x128xi32, #tpu.memory_space<hbm>> -> memref<80x128xi32, #tpu.memory_space<hbm>>
      tpu.enqueue_dma source(%dma_start3A_101 : memref<80x128xi32, #tpu.memory_space<hbm>>) target(%arg5 : memref<80x128xi32, #tpu.memory_space<vmem>>) target_semaphore(%run_scoped3A : memref<!tpu.dma_semaphore, #tpu.memory_space<semaphore_mem>>)
      %dma_wait3A = arith.constant 0 : i32
      %dma_wait3A_102 = tpu.memref_slice %arg3[%mul3A_1, %dma_wait3A] : memref<1280x128xi32, #tpu.memory_space<hbm>> -> memref<80x128xi32, #tpu.memory_space<hbm>>
      %dma_wait3A_103 = arith.constant 0 : i32
      %dma_wait3A_104 = tpu.memref_slice %arg3[%mul3A_1, %dma_wait3A_103] : memref<1280x128xi32, #tpu.memory_space<hbm>> -> memref<80x128xi32, #tpu.memory_space<hbm>>
      tpu.wait_dma2 semaphore(%run_scoped3A : memref<!tpu.dma_semaphore, #tpu.memory_space<semaphore_mem>>) src(%dma_wait3A_104 : memref<80x128xi32, #tpu.memory_space<hbm>>) dst(%arg5 : memref<80x128xi32, #tpu.memory_space<vmem>>)
      tpu.yield
    }) : () -> ()
    %mul3A_2 = arith.constant 2 : i32
    %mul3A_3 = arith.muli %arg0, %mul3A_2 : i32
    %add3A = arith.constant 0 : i32
    %add3A_4 = arith.addi %mul3A_3, %add3A : i32
    %mul3A_5 = arith.constant 128 : i32
    %mul3A_6 = arith.muli %add3A_4, %mul3A_5 : i32
    %scan3A = arith.constant 0 : i32
    %scan3A_7 = arith.constant 0 : i32
    %scan3A_8 = arith.constant 128 : i32
    %scan3A_9 = arith.addi %scan3A_7, %scan3A_8 : i32
    %scan3A_10 = arith.constant 1 : i32
    scf.for %scan3A_99 = %scan3A_7 to %scan3A_9 step %scan3A_10  : i32 {
      %broadcast_in_dim3A = arith.constant 0.000000e+00 : f32
      %broadcast_in_dim3A_100 = vector.broadcast %broadcast_in_dim3A : f32 to vector<16xf32>
      %swap3A = arith.index_cast %scan3A_99 : i32 to index
      %swap3A_101 = arith.constant 0 : index
      %swap3A_102 = tpu.vector_load %arg6[%swap3A, %swap3A_101] {strides = array<i32>} : memref<128x128xf32, #tpu.memory_space<vmem>>, vector<1x16xf32>,
      %swap3A_103 = vector.shape_cast %swap3A_102 : vector<1x16xf32> to vector<16xf32>
      %swap3A_104 = vector.shape_cast %broadcast_in_dim3A_100 : vector<16xf32> to vector<1x16xf32>
      tpu.vector_store %arg6[%swap3A, %swap3A_101], %swap3A_104 {strides = array<i32>} : memref<128x128xf32, #tpu.memory_space<vmem>>, vector<1x16xf32>,
      %broadcast_in_dim3A_105 = arith.constant 0.000000e+00 : f32
      %broadcast_in_dim3A_106 = vector.broadcast %broadcast_in_dim3A_105 : f32 to vector<16xf32>
      %swap3A_107 = arith.index_cast %scan3A_99 : i32 to index
      %swap3A_108 = arith.constant 16 : index
      %swap3A_109 = tpu.vector_load %arg6[%swap3A_107, %swap3A_108] {strides = array<i32>} : memref<128x128xf32, #tpu.memory_space<vmem>>, vector<1x16xf32>,
      %swap3A_110 = vector.shape_cast %swap3A_109 : vector<1x16xf32> to vector<16xf32>
      %swap3A_111 = vector.shape_cast %broadcast_in_dim3A_106 : vector<16xf32> to vector<1x16xf32>
      tpu.vector_store %arg6[%swap3A_107, %swap3A_108], %swap3A_111 {strides = array<i32>} : memref<128x128xf32, #tpu.memory_space<vmem>>, vector<1x16xf32>,
      %broadcast_in_dim3A_112 = arith.constant 0.000000e+00 : f32
      %broadcast_in_dim3A_113 = vector.broadcast %broadcast_in_dim3A_112 : f32 to vector<16xf32>
      %swap3A_114 = arith.index_cast %scan3A_99 : i32 to index
      %swap3A_115 = arith.constant 32 : index
      %swap3A_116 = tpu.vector_load %arg6[%swap3A_114, %swap3A_115] {strides = array<i32>} : memref<128x128xf32, #tpu.memory_space<vmem>>, vector<1x16xf32>,
      %swap3A_117 = vector.shape_cast %swap3A_116 : vector<1x16xf32> to vector<16xf32>
      %swap3A_118 = vector.shape_cast %broadcast_in_dim3A_113 : vector<16xf32> to vector<1x16xf32>
      tpu.vector_store %arg6[%swap3A_114, %swap3A_115], %swap3A_118 {strides = array<i32>} : memref<128x128xf32, #tpu.memory_space<vmem>>, vector<1x16xf32>,
      %broadcast_in_dim3A_119 = arith.constant 0.000000e+00 : f32
      %broadcast_in_dim3A_120 = vector.broadcast %broadcast_in_dim3A_119 : f32 to vector<16xf32>
      %swap3A_121 = arith.index_cast %scan3A_99 : i32 to index
      %swap3A_122 = arith.constant 48 : index
      %swap3A_123 = tpu.vector_load %arg6[%swap3A_121, %swap3A_122] {strides = array<i32>} : memref<128x128xf32, #tpu.memory_space<vmem>>, vector<1x16xf32>,
      %swap3A_124 = vector.shape_cast %swap3A_123 : vector<1x16xf32> to vector<16xf32>
      %swap3A_125 = vector.shape_cast %broadcast_in_dim3A_120 : vector<16xf32> to vector<1x16xf32>
      tpu.vector_store %arg6[%swap3A_121, %swap3A_122], %swap3A_125 {strides = array<i32>} : memref<128x128xf32, #tpu.memory_space<vmem>>, vector<1x16xf32>,
      %broadcast_in_dim3A_126 = arith.constant 0.000000e+00 : f32
      %broadcast_in_dim3A_127 = vector.broadcast %broadcast_in_dim3A_126 : f32 to vector<16xf32>
      %swap3A_128 = arith.index_cast %scan3A_99 : i32 to index
      %swap3A_129 = arith.constant 64 : index
      %swap3A_130 = tpu.vector_load %arg6[%swap3A_128, %swap3A_129] {strides = array<i32>} : memref<128x128xf32, #tpu.memory_space<vmem>>, vector<1x16xf32>,
      %swap3A_131 = vector.shape_cast %swap3A_130 : vector<1x16xf32> to vector<16xf32>
      %swap3A_132 = vector.shape_cast %broadcast_in_dim3A_127 : vector<16xf32> to vector<1x16xf32>
      tpu.vector_store %arg6[%swap3A_128, %swap3A_129], %swap3A_132 {strides = array<i32>} : memref<128x128xf32, #tpu.memory_space<vmem>>, vector<1x16xf32>,
      %broadcast_in_dim3A_133 = arith.constant 0.000000e+00 : f32
      %broadcast_in_dim3A_134 = vector.broadcast %broadcast_in_dim3A_133 : f32 to vector<16xf32>
      %swap3A_135 = arith.index_cast %scan3A_99 : i32 to index
      %swap3A_136 = arith.constant 80 : index
      %swap3A_137 = tpu.vector_load %arg6[%swap3A_135, %swap3A_136] {strides = array<i32>} : memref<128x128xf32, #tpu.memory_space<vmem>>, vector<1x16xf32>,
      %swap3A_138 = vector.shape_cast %swap3A_137 : vector<1x16xf32> to vector<16xf32>
      %swap3A_139 = vector.shape_cast %broadcast_in_dim3A_134 : vector<16xf32> to vector<1x16xf32>
      tpu.vector_store %arg6[%swap3A_135, %swap3A_136], %swap3A_139 {strides = array<i32>} : memref<128x128xf32, #tpu.memory_space<vmem>>, vector<1x16xf32>,
      %broadcast_in_dim3A_140 = arith.constant 0.000000e+00 : f32
      %broadcast_in_dim3A_141 = vector.broadcast %broadcast_in_dim3A_140 : f32 to vector<16xf32>
      %swap3A_142 = arith.index_cast %scan3A_99 : i32 to index
      %swap3A_143 = arith.constant 96 : index
      %swap3A_144 = tpu.vector_load %arg6[%swap3A_142, %swap3A_143] {strides = array<i32>} : memref<128x128xf32, #tpu.memory_space<vmem>>, vector<1x16xf32>,
      %swap3A_145 = vector.shape_cast %swap3A_144 : vector<1x16xf32> to vector<16xf32>
      %swap3A_146 = vector.shape_cast %broadcast_in_dim3A_141 : vector<16xf32> to vector<1x16xf32>
      tpu.vector_store %arg6[%swap3A_142, %swap3A_143], %swap3A_146 {strides = array<i32>} : memref<128x128xf32, #tpu.memory_space<vmem>>, vector<1x16xf32>,
      %broadcast_in_dim3A_147 = arith.constant 0.000000e+00 : f32
      %broadcast_in_dim3A_148 = vector.broadcast %broadcast_in_dim3A_147 : f32 to vector<16xf32>
      %swap3A_149 = arith.index_cast %scan3A_99 : i32 to index
      %swap3A_150 = arith.constant 112 : index
      %swap3A_151 = tpu.vector_load %arg6[%swap3A_149, %swap3A_150] {strides = array<i32>} : memref<128x128xf32, #tpu.memory_space<vmem>>, vector<1x16xf32>,
      %swap3A_152 = vector.shape_cast %swap3A_151 : vector<1x16xf32> to vector<16xf32>
      %swap3A_153 = vector.shape_cast %broadcast_in_dim3A_148 : vector<16xf32> to vector<1x16xf32>
      tpu.vector_store %arg6[%swap3A_149, %swap3A_150], %swap3A_153 {strides = array<i32>} : memref<128x128xf32, #tpu.memory_space<vmem>>, vector<1x16xf32>,
    }
    %scan3A_11 = arith.constant 128 : i32
    %mul3A_12 = arith.constant 624 : i32
    %mul3A_13 = arith.muli %arg1, %mul3A_12 : i32
    %add3A_14 = arith.constant 0 : i32
    %add3A_15 = arith.addi %mul3A_13, %add3A_14 : i32
    "tpu.region"() ({
      %run_scoped3A = tpu.sem_alloc : memref<!tpu.dma_semaphore, #tpu.memory_space<semaphore_mem>>
      %dma_start3A = arith.constant 0 : i32
      %dma_start3A_99 = tpu.memref_slice %arg7[%add3A_15, %dma_start3A] : memref<10000x128xf32, #tpu.memory_space<vmem_shared>> -> memref<128x128xf32, #tpu.memory_space<vmem_shared>>
      %dma_start3A_100 = arith.constant 0 : i32
      %dma_start3A_101 = tpu.memref_slice %arg7[%add3A_15, %dma_start3A_100] : memref<10000x128xf32, #tpu.memory_space<vmem_shared>> -> memref<128x128xf32, #tpu.memory_space<vmem_shared>>
      tpu.enqueue_dma source(%arg6 : memref<128x128xf32, #tpu.memory_space<vmem>>) target(%dma_start3A_101 : memref<128x128xf32, #tpu.memory_space<vmem_shared>>) target_semaphore(%run_scoped3A : memref<!tpu.dma_semaphore, #tpu.memory_space<semaphore_mem>>)
      %dma_wait3A = arith.constant 0 : i32
      %dma_wait3A_102 = tpu.memref_slice %arg7[%add3A_15, %dma_wait3A] : memref<10000x128xf32, #tpu.memory_space<vmem_shared>> -> memref<128x128xf32, #tpu.memory_space<vmem_shared>>
      %dma_wait3A_103 = arith.constant 0 : i32
      %dma_wait3A_104 = tpu.memref_slice %arg7[%add3A_15, %dma_wait3A_103] : memref<10000x128xf32, #tpu.memory_space<vmem_shared>> -> memref<128x128xf32, #tpu.memory_space<vmem_shared>>
      tpu.wait_dma2 semaphore(%run_scoped3A : memref<!tpu.dma_semaphore, #tpu.memory_space<semaphore_mem>>) src(%arg6 : memref<128x128xf32, #tpu.memory_space<vmem>>) dst(%dma_wait3A_104 : memref<128x128xf32, #tpu.memory_space<vmem_shared>>)
      tpu.yield
    }) : () -> ()
    %mul3A_16 = arith.constant 624 : i32
    %mul3A_17 = arith.muli %arg1, %mul3A_16 : i32
    %add3A_18 = arith.constant 128 : i32
    %add3A_19 = arith.addi %mul3A_17, %add3A_18 : i32
    "tpu.region"() ({
      %run_scoped3A = tpu.sem_alloc : memref<!tpu.dma_semaphore, #tpu.memory_space<semaphore_mem>>
      %dma_start3A = arith.constant 0 : i32
      %dma_start3A_99 = tpu.memref_slice %arg7[%add3A_19, %dma_start3A] : memref<10000x128xf32, #tpu.memory_space<vmem_shared>> -> memref<128x128xf32, #tpu.memory_space<vmem_shared>>
      %dma_start3A_100 = arith.constant 0 : i32
      %dma_start3A_101 = tpu.memref_slice %arg7[%add3A_19, %dma_start3A_100] : memref<10000x128xf32, #tpu.memory_space<vmem_shared>> -> memref<128x128xf32, #tpu.memory_space<vmem_shared>>
      tpu.enqueue_dma source(%arg6 : memref<128x128xf32, #tpu.memory_space<vmem>>) target(%dma_start3A_101 : memref<128x128xf32, #tpu.memory_space<vmem_shared>>) target_semaphore(%run_scoped3A : memref<!tpu.dma_semaphore, #tpu.memory_space<semaphore_mem>>)
      %dma_wait3A = arith.constant 0 : i32
      %dma_wait3A_102 = tpu.memref_slice %arg7[%add3A_19, %dma_wait3A] : memref<10000x128xf32, #tpu.memory_space<vmem_shared>> -> memref<128x128xf32, #tpu.memory_space<vmem_shared>>
      %dma_wait3A_103 = arith.constant 0 : i32
      %dma_wait3A_104 = tpu.memref_slice %arg7[%add3A_19, %dma_wait3A_103] : memref<10000x128xf32, #tpu.memory_space<vmem_shared>> -> memref<128x128xf32, #tpu.memory_space<vmem_shared>>
      tpu.wait_dma2 semaphore(%run_scoped3A : memref<!tpu.dma_semaphore, #tpu.memory_space<semaphore_mem>>) src(%arg6 : memref<128x128xf32, #tpu.memory_space<vmem>>) dst(%dma_wait3A_104 : memref<128x128xf32, #tpu.memory_space<vmem_shared>>)
      tpu.yield
    }) : () -> ()
    %mul3A_20 = arith.constant 624 : i32
    %mul3A_21 = arith.muli %arg1, %mul3A_20 : i32
    %add3A_22 = arith.constant 256 : i32
    %add3A_23 = arith.addi %mul3A_21, %add3A_22 : i32
    "tpu.region"() ({
      %run_scoped3A = tpu.sem_alloc : memref<!tpu.dma_semaphore, #tpu.memory_space<semaphore_mem>>
      %dma_start3A = arith.constant 0 : i32
      %dma_start3A_99 = tpu.memref_slice %arg7[%add3A_23, %dma_start3A] : memref<10000x128xf32, #tpu.memory_space<vmem_shared>> -> memref<128x128xf32, #tpu.memory_space<vmem_shared>>
      %dma_start3A_100 = arith.constant 0 : i32
      %dma_start3A_101 = tpu.memref_slice %arg7[%add3A_23, %dma_start3A_100] : memref<10000x128xf32, #tpu.memory_space<vmem_shared>> -> memref<128x128xf32, #tpu.memory_space<vmem_shared>>
      tpu.enqueue_dma source(%arg6 : memref<128x128xf32, #tpu.memory_space<vmem>>) target(%dma_start3A_101 : memref<128x128xf32, #tpu.memory_space<vmem_shared>>) target_semaphore(%run_scoped3A : memref<!tpu.dma_semaphore, #tpu.memory_space<semaphore_mem>>)
      %dma_wait3A = arith.constant 0 : i32
      %dma_wait3A_102 = tpu.memref_slice %arg7[%add3A_23, %dma_wait3A] : memref<10000x128xf32, #tpu.memory_space<vmem_shared>> -> memref<128x128xf32, #tpu.memory_space<vmem_shared>>
      %dma_wait3A_103 = arith.constant 0 : i32
      %dma_wait3A_104 = tpu.memref_slice %arg7[%add3A_23, %dma_wait3A_103] : memref<10000x128xf32, #tpu.memory_space<vmem_shared>> -> memref<128x128xf32, #tpu.memory_space<vmem_shared>>
      tpu.wait_dma2 semaphore(%run_scoped3A : memref<!tpu.dma_semaphore, #tpu.memory_space<semaphore_mem>>) src(%arg6 : memref<128x128xf32, #tpu.memory_space<vmem>>) dst(%dma_wait3A_104 : memref<128x128xf32, #tpu.memory_space<vmem_shared>>)
      tpu.yield
    }) : () -> ()
    %mul3A_24 = arith.constant 624 : i32
    %mul3A_25 = arith.muli %arg1, %mul3A_24 : i32
    %add3A_26 = arith.constant 384 : i32
    %add3A_27 = arith.addi %mul3A_25, %add3A_26 : i32
    "tpu.region"() ({
      %run_scoped3A = tpu.sem_alloc : memref<!tpu.dma_semaphore, #tpu.memory_space<semaphore_mem>>
      %dma_start3A = arith.constant 0 : i32
      %dma_start3A_99 = tpu.memref_slice %arg7[%add3A_27, %dma_start3A] : memref<10000x128xf32, #tpu.memory_space<vmem_shared>> -> memref<128x128xf32, #tpu.memory_space<vmem_shared>>
      %dma_start3A_100 = arith.constant 0 : i32
      %dma_start3A_101 = tpu.memref_slice %arg7[%add3A_27, %dma_start3A_100] : memref<10000x128xf32, #tpu.memory_space<vmem_shared>> -> memref<128x128xf32, #tpu.memory_space<vmem_shared>>
      tpu.enqueue_dma source(%arg6 : memref<128x128xf32, #tpu.memory_space<vmem>>) target(%dma_start3A_101 : memref<128x128xf32, #tpu.memory_space<vmem_shared>>) target_semaphore(%run_scoped3A : memref<!tpu.dma_semaphore, #tpu.memory_space<semaphore_mem>>)
      %dma_wait3A = arith.constant 0 : i32
      %dma_wait3A_102 = tpu.memref_slice %arg7[%add3A_27, %dma_wait3A] : memref<10000x128xf32, #tpu.memory_space<vmem_shared>> -> memref<128x128xf32, #tpu.memory_space<vmem_shared>>
      %dma_wait3A_103 = arith.constant 0 : i32
      %dma_wait3A_104 = tpu.memref_slice %arg7[%add3A_27, %dma_wait3A_103] : memref<10000x128xf32, #tpu.memory_space<vmem_shared>> -> memref<128x128xf32, #tpu.memory_space<vmem_shared>>
      tpu.wait_dma2 semaphore(%run_scoped3A : memref<!tpu.dma_semaphore, #tpu.memory_space<semaphore_mem>>) src(%arg6 : memref<128x128xf32, #tpu.memory_space<vmem>>) dst(%dma_wait3A_104 : memref<128x128xf32, #tpu.memory_space<vmem_shared>>)
      tpu.yield
    }) : () -> ()
    %mul3A_28 = arith.constant 624 : i32
    %mul3A_29 = arith.muli %arg1, %mul3A_28 : i32
    %add3A_30 = arith.constant 512 : i32
    %add3A_31 = arith.addi %mul3A_29, %add3A_30 : i32
    "tpu.region"() ({
      %run_scoped3A = tpu.sem_alloc : memref<!tpu.dma_semaphore, #tpu.memory_space<semaphore_mem>>
      %dma_start3A = arith.constant 0 : i32
      %dma_start3A_99 = arith.constant 0 : i32
      %dma_start3A_100 = tpu.memref_slice %arg6[%dma_start3A, %dma_start3A_99] : memref<128x128xf32, #tpu.memory_space<vmem>> -> memref<112x128xf32, #tpu.memory_space<vmem>>
      %dma_start3A_101 = arith.constant 0 : i32
      %dma_start3A_102 = tpu.memref_slice %arg7[%add3A_31, %dma_start3A_101] : memref<10000x128xf32, #tpu.memory_space<vmem_shared>> -> memref<112x128xf32, #tpu.memory_space<vmem_shared>>
      %dma_start3A_103 = arith.constant 0 : i32
      %dma_start3A_104 = tpu.memref_slice %arg7[%add3A_31, %dma_start3A_103] : memref<10000x128xf32, #tpu.memory_space<vmem_shared>> -> memref<112x128xf32, #tpu.memory_space<vmem_shared>>
      %dma_start3A_105 = arith.constant 0 : i32
      %dma_start3A_106 = arith.constant 0 : i32
      %dma_start3A_107 = tpu.memref_slice %arg6[%dma_start3A_105, %dma_start3A_106] : memref<128x128xf32, #tpu.memory_space<vmem>> -> memref<112x128xf32, #tpu.memory_space<vmem>>
      tpu.enqueue_dma source(%dma_start3A_107 : memref<112x128xf32, #tpu.memory_space<vmem>>) target(%dma_start3A_104 : memref<112x128xf32, #tpu.memory_space<vmem_shared>>) target_semaphore(%run_scoped3A : memref<!tpu.dma_semaphore, #tpu.memory_space<semaphore_mem>>)
      %dma_wait3A = arith.constant 0 : i32
      %dma_wait3A_108 = arith.constant 0 : i32
      %dma_wait3A_109 = tpu.memref_slice %arg6[%dma_wait3A, %dma_wait3A_108] : memref<128x128xf32, #tpu.memory_space<vmem>> -> memref<112x128xf32, #tpu.memory_space<vmem>>
      %dma_wait3A_110 = arith.constant 0 : i32
      %dma_wait3A_111 = tpu.memref_slice %arg7[%add3A_31, %dma_wait3A_110] : memref<10000x128xf32, #tpu.memory_space<vmem_shared>> -> memref<112x128xf32, #tpu.memory_space<vmem_shared>>
      %dma_wait3A_112 = arith.constant 0 : i32
      %dma_wait3A_113 = tpu.memref_slice %arg7[%add3A_31, %dma_wait3A_112] : memref<10000x128xf32, #tpu.memory_space<vmem_shared>> -> memref<112x128xf32, #tpu.memory_space<vmem_shared>>
      %dma_wait3A_114 = arith.constant 0 : i32
      %dma_wait3A_115 = arith.constant 0 : i32
      %dma_wait3A_116 = tpu.memref_slice %arg6[%dma_wait3A_114, %dma_wait3A_115] : memref<128x128xf32, #tpu.memory_space<vmem>> -> memref<112x128xf32, #tpu.memory_space<vmem>>
      tpu.wait_dma2 semaphore(%run_scoped3A : memref<!tpu.dma_semaphore, #tpu.memory_space<semaphore_mem>>) src(%dma_wait3A_116 : memref<112x128xf32, #tpu.memory_space<vmem>>) dst(%dma_wait3A_113 : memref<112x128xf32, #tpu.memory_space<vmem_shared>>)
      tpu.yield
    }) : () -> ()
    %convert_element_type3A = arith.extui %eq3A_0 : i1 to i32
    %cond3A = arith.constant 0 : i32
    %cond3A_32 = arith.cmpi ne, %convert_element_type3A, %cond3A : i32
    scf.if %cond3A_32 {
      "tpu.region"() ({
        %run_scoped3A = tpu.sem_alloc : memref<!tpu.dma_semaphore, #tpu.memory_space<semaphore_mem>>
        %dma_start3A = arith.constant 0 : i32
        %dma_start3A_99 = arith.constant 0 : i32
        %dma_start3A_100 = tpu.memref_slice %arg6[%dma_start3A, %dma_start3A_99] : memref<128x128xf32, #tpu.memory_space<vmem>> -> memref<16x128xf32, #tpu.memory_space<vmem>>
        %dma_start3A_101 = arith.constant 9984 : i32
        %dma_start3A_102 = arith.constant 0 : i32
        %dma_start3A_103 = tpu.memref_slice %arg7[%dma_start3A_101, %dma_start3A_102] : memref<10000x128xf32, #tpu.memory_space<vmem_shared>> -> memref<16x128xf32, #tpu.memory_space<vmem_shared>>
        %dma_start3A_104 = arith.constant 9984 : i32
        %dma_start3A_105 = arith.constant 0 : i32
        %dma_start3A_106 = tpu.memref_slice %arg7[%dma_start3A_104, %dma_start3A_105] : memref<10000x128xf32, #tpu.memory_space<vmem_shared>> -> memref<16x128xf32, #tpu.memory_space<vmem_shared>>
        %dma_start3A_107 = arith.constant 0 : i32
        %dma_start3A_108 = arith.constant 0 : i32
        %dma_start3A_109 = tpu.memref_slice %arg6[%dma_start3A_107, %dma_start3A_108] : memref<128x128xf32, #tpu.memory_space<vmem>> -> memref<16x128xf32, #tpu.memory_space<vmem>>
        tpu.enqueue_dma source(%dma_start3A_109 : memref<16x128xf32, #tpu.memory_space<vmem>>) target(%dma_start3A_106 : memref<16x128xf32, #tpu.memory_space<vmem_shared>>) target_semaphore(%run_scoped3A : memref<!tpu.dma_semaphore, #tpu.memory_space<semaphore_mem>>)
        %dma_wait3A = arith.constant 0 : i32
        %dma_wait3A_110 = arith.constant 0 : i32
        %dma_wait3A_111 = tpu.memref_slice %arg6[%dma_wait3A, %dma_wait3A_110] : memref<128x128xf32, #tpu.memory_space<vmem>> -> memref<16x128xf32, #tpu.memory_space<vmem>>
        %dma_wait3A_112 = arith.constant 9984 : i32
        %dma_wait3A_113 = arith.constant 0 : i32
        %dma_wait3A_114 = tpu.memref_slice %arg7[%dma_wait3A_112, %dma_wait3A_113] : memref<10000x128xf32, #tpu.memory_space<vmem_shared>> -> memref<16x128xf32, #tpu.memory_space<vmem_shared>>
        %dma_wait3A_115 = arith.constant 9984 : i32
        %dma_wait3A_116 = arith.constant 0 : i32
        %dma_wait3A_117 = tpu.memref_slice %arg7[%dma_wait3A_115, %dma_wait3A_116] : memref<10000x128xf32, #tpu.memory_space<vmem_shared>> -> memref<16x128xf32, #tpu.memory_space<vmem_shared>>
        %dma_wait3A_118 = arith.constant 0 : i32
        %dma_wait3A_119 = arith.constant 0 : i32
        %dma_wait3A_120 = tpu.memref_slice %arg6[%dma_wait3A_118, %dma_wait3A_119] : memref<128x128xf32, #tpu.memory_space<vmem>> -> memref<16x128xf32, #tpu.memory_space<vmem>>
        tpu.wait_dma2 semaphore(%run_scoped3A : memref<!tpu.dma_semaphore, #tpu.memory_space<semaphore_mem>>) src(%dma_wait3A_120 : memref<16x128xf32, #tpu.memory_space<vmem>>) dst(%dma_wait3A_117 : memref<16x128xf32, #tpu.memory_space<vmem_shared>>)
        tpu.yield
      }) : () -> ()
    } else {
    }
    %barrier3A = arith.constant 0 : index
    tpu.barrier barrier_id(%barrier3A)
    %scan3A_33 = arith.constant 0 : i32
    %scan3A_34 = arith.constant 0 : i32
    %scan3A_35 = arith.constant 80 : i32
    %scan3A_36 = arith.addi %scan3A_34, %scan3A_35 : i32
    %scan3A_37 = arith.constant 1 : i32
    scf.for %scan3A_99 = %scan3A_34 to %scan3A_36 step %scan3A_37  : i32 {
      %mul3A_100 = arith.constant 80 : i32
      %mul3A_101 = arith.muli %arg1, %mul3A_100 : i32
      %add3A_102 = arith.addi %mul3A_101, %scan3A_99 : i32
      %mul3A_103 = arith.constant 128 : i32
      %mul3A_104 = arith.muli %add3A_102, %mul3A_103 : i32
      "tpu.region"() ({
        %run_scoped3A = tpu.sem_alloc : memref<!tpu.dma_semaphore, #tpu.memory_space<semaphore_mem>>
        %dma_start3A = tpu.memref_slice %arg2[%mul3A_104, %mul3A_6] : memref<163840x512xf32, #tpu.memory_space<hbm>> -> memref<128x128xf32, #tpu.memory_space<hbm>>
        %dma_start3A_105 = tpu.memref_slice %arg2[%mul3A_104, %mul3A_6] : memref<163840x512xf32, #tpu.memory_space<hbm>> -> memref<128x128xf32, #tpu.memory_space<hbm>>
        tpu.enqueue_dma source(%dma_start3A_105 : memref<128x128xf32, #tpu.memory_space<hbm>>) target(%arg6 : memref<128x128xf32, #tpu.memory_space<vmem>>) target_semaphore(%run_scoped3A : memref<!tpu.dma_semaphore, #tpu.memory_space<semaphore_mem>>)
        %dma_wait3A = tpu.memref_slice %arg2[%mul3A_104, %mul3A_6] : memref<163840x512xf32, #tpu.memory_space<hbm>> -> memref<128x128xf32, #tpu.memory_space<hbm>>
        %dma_wait3A_106 = tpu.memref_slice %arg2[%mul3A_104, %mul3A_6] : memref<163840x512xf32, #tpu.memory_space<hbm>> -> memref<128x128xf32, #tpu.memory_space<hbm>>
        tpu.wait_dma2 semaphore(%run_scoped3A : memref<!tpu.dma_semaphore, #tpu.memory_space<semaphore_mem>>) src(%dma_wait3A_106 : memref<128x128xf32, #tpu.memory_space<hbm>>) dst(%arg6 : memref<128x128xf32, #tpu.memory_space<vmem>>)
        tpu.yield
      }) : () -> ()
      "tpu.region"() ({
        %run_scoped3A = tpu.sem_alloc : memref<!tpu.dma_semaphore, #tpu.memory_space<semaphore_mem>>
        %dma_start3A = arith.constant 0 : i32
        %dma_start3A_105 = tpu.memref_slice %arg5[%scan3A_99, %dma_start3A] : memref<80x128xi32, #tpu.memory_space<vmem>> -> memref<1x128xi32, #tpu.memory_space<vmem>>
        %dma_start3A_106 = tpu.memref_squeeze %dma_start3A_105 : memref<1x128xi32, #tpu.memory_space<vmem>> -> memref<128xi32, #tpu.memory_space<vmem>>
        %dma_start3A_107 = arith.constant 0 : i32
        %dma_start3A_108 = arith.constant 0 : i32
        %dma_start3A_109 = tpu.memref_slice %arg7[%dma_start3A_107, %dma_start3A_108] : memref<10000x128xf32, #tpu.memory_space<vmem_shared>> -> memref<10000x128xf32, #tpu.memory_space<vmem_shared>>
        tpu.enqueue_indirect_dma source(%arg6 : memref<128x128xf32, #tpu.memory_space<vmem>>) target(%dma_start3A_109 : memref<10000x128xf32, #tpu.memory_space<vmem_shared>>) offsets(%dma_start3A_106 : memref<128xi32, #tpu.memory_space<vmem>>) semaphore(%run_scoped3A : memref<!tpu.dma_semaphore, #tpu.memory_space<semaphore_mem>>) {add = true}
        %dma_wait3A = arith.constant 0 : i32
        %dma_wait3A_110 = tpu.memref_slice %arg5[%scan3A_99, %dma_wait3A] : memref<80x128xi32, #tpu.memory_space<vmem>> -> memref<1x128xi32, #tpu.memory_space<vmem>>
        %dma_wait3A_111 = tpu.memref_squeeze %dma_wait3A_110 : memref<1x128xi32, #tpu.memory_space<vmem>> -> memref<128xi32, #tpu.memory_space<vmem>>
        %dma_wait3A_112 = arith.constant 0 : i32
        %dma_wait3A_113 = arith.constant 0 : i32
        %dma_wait3A_114 = tpu.memref_slice %arg7[%dma_wait3A_112, %dma_wait3A_113] : memref<10000x128xf32, #tpu.memory_space<vmem_shared>> -> memref<10000x128xf32, #tpu.memory_space<vmem_shared>>
        tpu.wait_indirect_dma semaphore(%run_scoped3A : memref<!tpu.dma_semaphore, #tpu.memory_space<semaphore_mem>>) src(%arg6 : memref<128x128xf32, #tpu.memory_space<vmem>>) dst(%dma_wait3A_114 : memref<10000x128xf32, #tpu.memory_space<vmem_shared>>)
        tpu.yield
      }) : () -> ()
    }
    %scan3A_38 = arith.constant 80 : i32
    %barrier3A_39 = arith.constant 0 : index
    tpu.barrier barrier_id(%barrier3A_39)
    %mul3A_40 = arith.constant 624 : i32
    %mul3A_41 = arith.muli %arg1, %mul3A_40 : i32
    %mul3A_42 = arith.constant 624 : i32
    %mul3A_43 = arith.muli %arg1, %mul3A_42 : i32
    "tpu.region"() ({
      %run_scoped3A = tpu.sem_alloc : memref<!tpu.dma_semaphore, #tpu.memory_space<semaphore_mem>>
      %dma_start3A = tpu.memref_slice %arg4[%mul3A_43, %mul3A_6] : memref<10000x512xf32, #tpu.memory_space<hbm>> -> memref<624x128xf32, #tpu.memory_space<hbm>>
      %dma_start3A_99 = arith.constant 0 : i32
      %dma_start3A_100 = tpu.memref_slice %arg7[%mul3A_41, %dma_start3A_99] : memref<10000x128xf32, #tpu.memory_space<vmem_shared>> -> memref<624x128xf32, #tpu.memory_space<vmem_shared>>
      tpu.enqueue_dma source(%dma_start3A_100 : memref<624x128xf32, #tpu.memory_space<vmem_shared>>) target(%dma_start3A : memref<624x128xf32, #tpu.memory_space<hbm>>) target_semaphore(%run_scoped3A : memref<!tpu.dma_semaphore, #tpu.memory_space<semaphore_mem>>)
      %dma_wait3A = tpu.memref_slice %arg4[%mul3A_43, %mul3A_6] : memref<10000x512xf32, #tpu.memory_space<hbm>> -> memref<624x128xf32, #tpu.memory_space<hbm>>
      %dma_wait3A_101 = arith.constant 0 : i32
      %dma_wait3A_102 = tpu.memref_slice %arg7[%mul3A_41, %dma_wait3A_101] : memref<10000x128xf32, #tpu.memory_space<vmem_shared>> -> memref<624x128xf32, #tpu.memory_space<vmem_shared>>
      tpu.wait_dma2 semaphore(%run_scoped3A : memref<!tpu.dma_semaphore, #tpu.memory_space<semaphore_mem>>) src(%dma_wait3A_102 : memref<624x128xf32, #tpu.memory_space<vmem_shared>>) dst(%dma_wait3A : memref<624x128xf32, #tpu.memory_space<hbm>>)
      tpu.yield
    }) : () -> ()
    %convert_element_type3A_44 = arith.extui %eq3A_0 : i1 to i32
    %cond3A_45 = arith.constant 0 : i32
    %cond3A_46 = arith.cmpi ne, %convert_element_type3A_44, %cond3A_45 : i32
    scf.if %cond3A_46 {
      "tpu.region"() ({
        %run_scoped3A = tpu.sem_alloc : memref<!tpu.dma_semaphore, #tpu.memory_space<semaphore_mem>>
        %dma_start3A = arith.constant 9984 : i32
        %dma_start3A_99 = tpu.memref_slice %arg4[%dma_start3A, %mul3A_6] : memref<10000x512xf32, #tpu.memory_space<hbm>> -> memref<16x128xf32, #tpu.memory_space<hbm>>
        %dma_start3A_100 = arith.constant 9984 : i32
        %dma_start3A_101 = arith.constant 0 : i32
        %dma_start3A_102 = tpu.memref_slice %arg7[%dma_start3A_100, %dma_start3A_101] : memref<10000x128xf32, #tpu.memory_space<vmem_shared>> -> memref<16x128xf32, #tpu.memory_space<vmem_shared>>
        tpu.enqueue_dma source(%dma_start3A_102 : memref<16x128xf32, #tpu.memory_space<vmem_shared>>) target(%dma_start3A_99 : memref<16x128xf32, #tpu.memory_space<hbm>>) target_semaphore(%run_scoped3A : memref<!tpu.dma_semaphore, #tpu.memory_space<semaphore_mem>>)
        %dma_wait3A = arith.constant 9984 : i32
        %dma_wait3A_103 = tpu.memref_slice %arg4[%dma_wait3A, %mul3A_6] : memref<10000x512xf32, #tpu.memory_space<hbm>> -> memref<16x128xf32, #tpu.memory_space<hbm>>
        %dma_wait3A_104 = arith.constant 9984 : i32
        %dma_wait3A_105 = arith.constant 0 : i32
        %dma_wait3A_106 = tpu.memref_slice %arg7[%dma_wait3A_104, %dma_wait3A_105] : memref<10000x128xf32, #tpu.memory_space<vmem_shared>> -> memref<16x128xf32, #tpu.memory_space<vmem_shared>>
        tpu.wait_dma2 semaphore(%run_scoped3A : memref<!tpu.dma_semaphore, #tpu.memory_space<semaphore_mem>>) src(%dma_wait3A_106 : memref<16x128xf32, #tpu.memory_space<vmem_shared>>) dst(%dma_wait3A_103 : memref<16x128xf32, #tpu.memory_space<hbm>>)
        tpu.yield
      }) : () -> ()
    } else {
    }
    %barrier3A_47 = arith.constant 0 : index
    tpu.barrier barrier_id(%barrier3A_47)
    %mul3A_48 = arith.constant 2 : i32
    %mul3A_49 = arith.muli %arg0, %mul3A_48 : i32
    %add3A_50 = arith.constant 1 : i32
    %add3A_51 = arith.addi %mul3A_49, %add3A_50 : i32
    %mul3A_52 = arith.constant 128 : i32
    %mul3A_53 = arith.muli %add3A_51, %mul3A_52 : i32
    %scan3A_54 = arith.constant 0 : i32
    %scan3A_55 = arith.constant 0 : i32
    %scan3A_56 = arith.constant 128 : i32
    %scan3A_57 = arith.addi %scan3A_55, %scan3A_56 : i32
    %scan3A_58 = arith.constant 1 : i32
    scf.for %scan3A_99 = %scan3A_55 to %scan3A_57 step %scan3A_58  : i32 {
      %broadcast_in_dim3A = arith.constant 0.000000e+00 : f32
      %broadcast_in_dim3A_100 = vector.broadcast %broadcast_in_dim3A : f32 to vector<16xf32>
      %swap3A = arith.index_cast %scan3A_99 : i32 to index
      %swap3A_101 = arith.constant 0 : index
      %swap3A_102 = tpu.vector_load %arg6[%swap3A, %swap3A_101] {strides = array<i32>} : memref<128x128xf32, #tpu.memory_space<vmem>>, vector<1x16xf32>,
      %swap3A_103 = vector.shape_cast %swap3A_102 : vector<1x16xf32> to vector<16xf32>
      %swap3A_104 = vector.shape_cast %broadcast_in_dim3A_100 : vector<16xf32> to vector<1x16xf32>
      tpu.vector_store %arg6[%swap3A, %swap3A_101], %swap3A_104 {strides = array<i32>} : memref<128x128xf32, #tpu.memory_space<vmem>>, vector<1x16xf32>,
      %broadcast_in_dim3A_105 = arith.constant 0.000000e+00 : f32
      %broadcast_in_dim3A_106 = vector.broadcast %broadcast_in_dim3A_105 : f32 to vector<16xf32>
      %swap3A_107 = arith.index_cast %scan3A_99 : i32 to index
      %swap3A_108 = arith.constant 16 : index
      %swap3A_109 = tpu.vector_load %arg6[%swap3A_107, %swap3A_108] {strides = array<i32>} : memref<128x128xf32, #tpu.memory_space<vmem>>, vector<1x16xf32>,
      %swap3A_110 = vector.shape_cast %swap3A_109 : vector<1x16xf32> to vector<16xf32>
      %swap3A_111 = vector.shape_cast %broadcast_in_dim3A_106 : vector<16xf32> to vector<1x16xf32>
      tpu.vector_store %arg6[%swap3A_107, %swap3A_108], %swap3A_111 {strides = array<i32>} : memref<128x128xf32, #tpu.memory_space<vmem>>, vector<1x16xf32>,
      %broadcast_in_dim3A_112 = arith.constant 0.000000e+00 : f32
      %broadcast_in_dim3A_113 = vector.broadcast %broadcast_in_dim3A_112 : f32 to vector<16xf32>
      %swap3A_114 = arith.index_cast %scan3A_99 : i32 to index
      %swap3A_115 = arith.constant 32 : index
      %swap3A_116 = tpu.vector_load %arg6[%swap3A_114, %swap3A_115] {strides = array<i32>} : memref<128x128xf32, #tpu.memory_space<vmem>>, vector<1x16xf32>,
      %swap3A_117 = vector.shape_cast %swap3A_116 : vector<1x16xf32> to vector<16xf32>
      %swap3A_118 = vector.shape_cast %broadcast_in_dim3A_113 : vector<16xf32> to vector<1x16xf32>
      tpu.vector_store %arg6[%swap3A_114, %swap3A_115], %swap3A_118 {strides = array<i32>} : memref<128x128xf32, #tpu.memory_space<vmem>>, vector<1x16xf32>,
      %broadcast_in_dim3A_119 = arith.constant 0.000000e+00 : f32
      %broadcast_in_dim3A_120 = vector.broadcast %broadcast_in_dim3A_119 : f32 to vector<16xf32>
      %swap3A_121 = arith.index_cast %scan3A_99 : i32 to index
      %swap3A_122 = arith.constant 48 : index
      %swap3A_123 = tpu.vector_load %arg6[%swap3A_121, %swap3A_122] {strides = array<i32>} : memref<128x128xf32, #tpu.memory_space<vmem>>, vector<1x16xf32>,
      %swap3A_124 = vector.shape_cast %swap3A_123 : vector<1x16xf32> to vector<16xf32>
      %swap3A_125 = vector.shape_cast %broadcast_in_dim3A_120 : vector<16xf32> to vector<1x16xf32>
      tpu.vector_store %arg6[%swap3A_121, %swap3A_122], %swap3A_125 {strides = array<i32>} : memref<128x128xf32, #tpu.memory_space<vmem>>, vector<1x16xf32>,
      %broadcast_in_dim3A_126 = arith.constant 0.000000e+00 : f32
      %broadcast_in_dim3A_127 = vector.broadcast %broadcast_in_dim3A_126 : f32 to vector<16xf32>
      %swap3A_128 = arith.index_cast %scan3A_99 : i32 to index
      %swap3A_129 = arith.constant 64 : index
      %swap3A_130 = tpu.vector_load %arg6[%swap3A_128, %swap3A_129] {strides = array<i32>} : memref<128x128xf32, #tpu.memory_space<vmem>>, vector<1x16xf32>,
      %swap3A_131 = vector.shape_cast %swap3A_130 : vector<1x16xf32> to vector<16xf32>
      %swap3A_132 = vector.shape_cast %broadcast_in_dim3A_127 : vector<16xf32> to vector<1x16xf32>
      tpu.vector_store %arg6[%swap3A_128, %swap3A_129], %swap3A_132 {strides = array<i32>} : memref<128x128xf32, #tpu.memory_space<vmem>>, vector<1x16xf32>,
      %broadcast_in_dim3A_133 = arith.constant 0.000000e+00 : f32
      %broadcast_in_dim3A_134 = vector.broadcast %broadcast_in_dim3A_133 : f32 to vector<16xf32>
      %swap3A_135 = arith.index_cast %scan3A_99 : i32 to index
      %swap3A_136 = arith.constant 80 : index
      %swap3A_137 = tpu.vector_load %arg6[%swap3A_135, %swap3A_136] {strides = array<i32>} : memref<128x128xf32, #tpu.memory_space<vmem>>, vector<1x16xf32>,
      %swap3A_138 = vector.shape_cast %swap3A_137 : vector<1x16xf32> to vector<16xf32>
      %swap3A_139 = vector.shape_cast %broadcast_in_dim3A_134 : vector<16xf32> to vector<1x16xf32>
      tpu.vector_store %arg6[%swap3A_135, %swap3A_136], %swap3A_139 {strides = array<i32>} : memref<128x128xf32, #tpu.memory_space<vmem>>, vector<1x16xf32>,
      %broadcast_in_dim3A_140 = arith.constant 0.000000e+00 : f32
      %broadcast_in_dim3A_141 = vector.broadcast %broadcast_in_dim3A_140 : f32 to vector<16xf32>
      %swap3A_142 = arith.index_cast %scan3A_99 : i32 to index
      %swap3A_143 = arith.constant 96 : index
      %swap3A_144 = tpu.vector_load %arg6[%swap3A_142, %swap3A_143] {strides = array<i32>} : memref<128x128xf32, #tpu.memory_space<vmem>>, vector<1x16xf32>,
      %swap3A_145 = vector.shape_cast %swap3A_144 : vector<1x16xf32> to vector<16xf32>
      %swap3A_146 = vector.shape_cast %broadcast_in_dim3A_141 : vector<16xf32> to vector<1x16xf32>
      tpu.vector_store %arg6[%swap3A_142, %swap3A_143], %swap3A_146 {strides = array<i32>} : memref<128x128xf32, #tpu.memory_space<vmem>>, vector<1x16xf32>,
      %broadcast_in_dim3A_147 = arith.constant 0.000000e+00 : f32
      %broadcast_in_dim3A_148 = vector.broadcast %broadcast_in_dim3A_147 : f32 to vector<16xf32>
      %swap3A_149 = arith.index_cast %scan3A_99 : i32 to index
      %swap3A_150 = arith.constant 112 : index
      %swap3A_151 = tpu.vector_load %arg6[%swap3A_149, %swap3A_150] {strides = array<i32>} : memref<128x128xf32, #tpu.memory_space<vmem>>, vector<1x16xf32>,
      %swap3A_152 = vector.shape_cast %swap3A_151 : vector<1x16xf32> to vector<16xf32>
      %swap3A_153 = vector.shape_cast %broadcast_in_dim3A_148 : vector<16xf32> to vector<1x16xf32>
      tpu.vector_store %arg6[%swap3A_149, %swap3A_150], %swap3A_153 {strides = array<i32>} : memref<128x128xf32, #tpu.memory_space<vmem>>, vector<1x16xf32>,
    }
    %scan3A_59 = arith.constant 128 : i32
    %mul3A_60 = arith.constant 624 : i32
    %mul3A_61 = arith.muli %arg1, %mul3A_60 : i32
    %add3A_62 = arith.constant 0 : i32
    %add3A_63 = arith.addi %mul3A_61, %add3A_62 : i32
    "tpu.region"() ({
      %run_scoped3A = tpu.sem_alloc : memref<!tpu.dma_semaphore, #tpu.memory_space<semaphore_mem>>
      %dma_start3A = arith.constant 0 : i32
      %dma_start3A_99 = tpu.memref_slice %arg7[%add3A_63, %dma_start3A] : memref<10000x128xf32, #tpu.memory_space<vmem_shared>> -> memref<128x128xf32, #tpu.memory_space<vmem_shared>>
      %dma_start3A_100 = arith.constant 0 : i32
      %dma_start3A_101 = tpu.memref_slice %arg7[%add3A_63, %dma_start3A_100] : memref<10000x128xf32, #tpu.memory_space<vmem_shared>> -> memref<128x128xf32, #tpu.memory_space<vmem_shared>>
      tpu.enqueue_dma source(%arg6 : memref<128x128xf32, #tpu.memory_space<vmem>>) target(%dma_start3A_101 : memref<128x128xf32, #tpu.memory_space<vmem_shared>>) target_semaphore(%run_scoped3A : memref<!tpu.dma_semaphore, #tpu.memory_space<semaphore_mem>>)
      %dma_wait3A = arith.constant 0 : i32
      %dma_wait3A_102 = tpu.memref_slice %arg7[%add3A_63, %dma_wait3A] : memref<10000x128xf32, #tpu.memory_space<vmem_shared>> -> memref<128x128xf32, #tpu.memory_space<vmem_shared>>
      %dma_wait3A_103 = arith.constant 0 : i32
      %dma_wait3A_104 = tpu.memref_slice %arg7[%add3A_63, %dma_wait3A_103] : memref<10000x128xf32, #tpu.memory_space<vmem_shared>> -> memref<128x128xf32, #tpu.memory_space<vmem_shared>>
      tpu.wait_dma2 semaphore(%run_scoped3A : memref<!tpu.dma_semaphore, #tpu.memory_space<semaphore_mem>>) src(%arg6 : memref<128x128xf32, #tpu.memory_space<vmem>>) dst(%dma_wait3A_104 : memref<128x128xf32, #tpu.memory_space<vmem_shared>>)
      tpu.yield
    }) : () -> ()
    %mul3A_64 = arith.constant 624 : i32
    %mul3A_65 = arith.muli %arg1, %mul3A_64 : i32
    %add3A_66 = arith.constant 128 : i32
    %add3A_67 = arith.addi %mul3A_65, %add3A_66 : i32
    "tpu.region"() ({
      %run_scoped3A = tpu.sem_alloc : memref<!tpu.dma_semaphore, #tpu.memory_space<semaphore_mem>>
      %dma_start3A = arith.constant 0 : i32
      %dma_start3A_99 = tpu.memref_slice %arg7[%add3A_67, %dma_start3A] : memref<10000x128xf32, #tpu.memory_space<vmem_shared>> -> memref<128x128xf32, #tpu.memory_space<vmem_shared>>
      %dma_start3A_100 = arith.constant 0 : i32
      %dma_start3A_101 = tpu.memref_slice %arg7[%add3A_67, %dma_start3A_100] : memref<10000x128xf32, #tpu.memory_space<vmem_shared>> -> memref<128x128xf32, #tpu.memory_space<vmem_shared>>
      tpu.enqueue_dma source(%arg6 : memref<128x128xf32, #tpu.memory_space<vmem>>) target(%dma_start3A_101 : memref<128x128xf32, #tpu.memory_space<vmem_shared>>) target_semaphore(%run_scoped3A : memref<!tpu.dma_semaphore, #tpu.memory_space<semaphore_mem>>)
      %dma_wait3A = arith.constant 0 : i32
      %dma_wait3A_102 = tpu.memref_slice %arg7[%add3A_67, %dma_wait3A] : memref<10000x128xf32, #tpu.memory_space<vmem_shared>> -> memref<128x128xf32, #tpu.memory_space<vmem_shared>>
      %dma_wait3A_103 = arith.constant 0 : i32
      %dma_wait3A_104 = tpu.memref_slice %arg7[%add3A_67, %dma_wait3A_103] : memref<10000x128xf32, #tpu.memory_space<vmem_shared>> -> memref<128x128xf32, #tpu.memory_space<vmem_shared>>
      tpu.wait_dma2 semaphore(%run_scoped3A : memref<!tpu.dma_semaphore, #tpu.memory_space<semaphore_mem>>) src(%arg6 : memref<128x128xf32, #tpu.memory_space<vmem>>) dst(%dma_wait3A_104 : memref<128x128xf32, #tpu.memory_space<vmem_shared>>)
      tpu.yield
    }) : () -> ()
    %mul3A_68 = arith.constant 624 : i32
    %mul3A_69 = arith.muli %arg1, %mul3A_68 : i32
    %add3A_70 = arith.constant 256 : i32
    %add3A_71 = arith.addi %mul3A_69, %add3A_70 : i32
    "tpu.region"() ({
      %run_scoped3A = tpu.sem_alloc : memref<!tpu.dma_semaphore, #tpu.memory_space<semaphore_mem>>
      %dma_start3A = arith.constant 0 : i32
      %dma_start3A_99 = tpu.memref_slice %arg7[%add3A_71, %dma_start3A] : memref<10000x128xf32, #tpu.memory_space<vmem_shared>> -> memref<128x128xf32, #tpu.memory_space<vmem_shared>>
      %dma_start3A_100 = arith.constant 0 : i32
      %dma_start3A_101 = tpu.memref_slice %arg7[%add3A_71, %dma_start3A_100] : memref<10000x128xf32, #tpu.memory_space<vmem_shared>> -> memref<128x128xf32, #tpu.memory_space<vmem_shared>>
      tpu.enqueue_dma source(%arg6 : memref<128x128xf32, #tpu.memory_space<vmem>>) target(%dma_start3A_101 : memref<128x128xf32, #tpu.memory_space<vmem_shared>>) target_semaphore(%run_scoped3A : memref<!tpu.dma_semaphore, #tpu.memory_space<semaphore_mem>>)
      %dma_wait3A = arith.constant 0 : i32
      %dma_wait3A_102 = tpu.memref_slice %arg7[%add3A_71, %dma_wait3A] : memref<10000x128xf32, #tpu.memory_space<vmem_shared>> -> memref<128x128xf32, #tpu.memory_space<vmem_shared>>
      %dma_wait3A_103 = arith.constant 0 : i32
      %dma_wait3A_104 = tpu.memref_slice %arg7[%add3A_71, %dma_wait3A_103] : memref<10000x128xf32, #tpu.memory_space<vmem_shared>> -> memref<128x128xf32, #tpu.memory_space<vmem_shared>>
      tpu.wait_dma2 semaphore(%run_scoped3A : memref<!tpu.dma_semaphore, #tpu.memory_space<semaphore_mem>>) src(%arg6 : memref<128x128xf32, #tpu.memory_space<vmem>>) dst(%dma_wait3A_104 : memref<128x128xf32, #tpu.memory_space<vmem_shared>>)
      tpu.yield
    }) : () -> ()
    %mul3A_72 = arith.constant 624 : i32
    %mul3A_73 = arith.muli %arg1, %mul3A_72 : i32
    %add3A_74 = arith.constant 384 : i32
    %add3A_75 = arith.addi %mul3A_73, %add3A_74 : i32
    "tpu.region"() ({
      %run_scoped3A = tpu.sem_alloc : memref<!tpu.dma_semaphore, #tpu.memory_space<semaphore_mem>>
      %dma_start3A = arith.constant 0 : i32
      %dma_start3A_99 = tpu.memref_slice %arg7[%add3A_75, %dma_start3A] : memref<10000x128xf32, #tpu.memory_space<vmem_shared>> -> memref<128x128xf32, #tpu.memory_space<vmem_shared>>
      %dma_start3A_100 = arith.constant 0 : i32
      %dma_start3A_101 = tpu.memref_slice %arg7[%add3A_75, %dma_start3A_100] : memref<10000x128xf32, #tpu.memory_space<vmem_shared>> -> memref<128x128xf32, #tpu.memory_space<vmem_shared>>
      tpu.enqueue_dma source(%arg6 : memref<128x128xf32, #tpu.memory_space<vmem>>) target(%dma_start3A_101 : memref<128x128xf32, #tpu.memory_space<vmem_shared>>) target_semaphore(%run_scoped3A : memref<!tpu.dma_semaphore, #tpu.memory_space<semaphore_mem>>)
      %dma_wait3A = arith.constant 0 : i32
      %dma_wait3A_102 = tpu.memref_slice %arg7[%add3A_75, %dma_wait3A] : memref<10000x128xf32, #tpu.memory_space<vmem_shared>> -> memref<128x128xf32, #tpu.memory_space<vmem_shared>>
      %dma_wait3A_103 = arith.constant 0 : i32
      %dma_wait3A_104 = tpu.memref_slice %arg7[%add3A_75, %dma_wait3A_103] : memref<10000x128xf32, #tpu.memory_space<vmem_shared>> -> memref<128x128xf32, #tpu.memory_space<vmem_shared>>
      tpu.wait_dma2 semaphore(%run_scoped3A : memref<!tpu.dma_semaphore, #tpu.memory_space<semaphore_mem>>) src(%arg6 : memref<128x128xf32, #tpu.memory_space<vmem>>) dst(%dma_wait3A_104 : memref<128x128xf32, #tpu.memory_space<vmem_shared>>)
      tpu.yield
    }) : () -> ()
    %mul3A_76 = arith.constant 624 : i32
    %mul3A_77 = arith.muli %arg1, %mul3A_76 : i32
    %add3A_78 = arith.constant 512 : i32
    %add3A_79 = arith.addi %mul3A_77, %add3A_78 : i32
    "tpu.region"() ({
      %run_scoped3A = tpu.sem_alloc : memref<!tpu.dma_semaphore, #tpu.memory_space<semaphore_mem>>
      %dma_start3A = arith.constant 0 : i32
      %dma_start3A_99 = arith.constant 0 : i32
      %dma_start3A_100 = tpu.memref_slice %arg6[%dma_start3A, %dma_start3A_99] : memref<128x128xf32, #tpu.memory_space<vmem>> -> memref<112x128xf32, #tpu.memory_space<vmem>>
      %dma_start3A_101 = arith.constant 0 : i32
      %dma_start3A_102 = tpu.memref_slice %arg7[%add3A_79, %dma_start3A_101] : memref<10000x128xf32, #tpu.memory_space<vmem_shared>> -> memref<112x128xf32, #tpu.memory_space<vmem_shared>>
      %dma_start3A_103 = arith.constant 0 : i32
      %dma_start3A_104 = tpu.memref_slice %arg7[%add3A_79, %dma_start3A_103] : memref<10000x128xf32, #tpu.memory_space<vmem_shared>> -> memref<112x128xf32, #tpu.memory_space<vmem_shared>>
      %dma_start3A_105 = arith.constant 0 : i32
      %dma_start3A_106 = arith.constant 0 : i32
      %dma_start3A_107 = tpu.memref_slice %arg6[%dma_start3A_105, %dma_start3A_106] : memref<128x128xf32, #tpu.memory_space<vmem>> -> memref<112x128xf32, #tpu.memory_space<vmem>>
      tpu.enqueue_dma source(%dma_start3A_107 : memref<112x128xf32, #tpu.memory_space<vmem>>) target(%dma_start3A_104 : memref<112x128xf32, #tpu.memory_space<vmem_shared>>) target_semaphore(%run_scoped3A : memref<!tpu.dma_semaphore, #tpu.memory_space<semaphore_mem>>)
      %dma_wait3A = arith.constant 0 : i32
      %dma_wait3A_108 = arith.constant 0 : i32
      %dma_wait3A_109 = tpu.memref_slice %arg6[%dma_wait3A, %dma_wait3A_108] : memref<128x128xf32, #tpu.memory_space<vmem>> -> memref<112x128xf32, #tpu.memory_space<vmem>>
      %dma_wait3A_110 = arith.constant 0 : i32
      %dma_wait3A_111 = tpu.memref_slice %arg7[%add3A_79, %dma_wait3A_110] : memref<10000x128xf32, #tpu.memory_space<vmem_shared>> -> memref<112x128xf32, #tpu.memory_space<vmem_shared>>
      %dma_wait3A_112 = arith.constant 0 : i32
      %dma_wait3A_113 = tpu.memref_slice %arg7[%add3A_79, %dma_wait3A_112] : memref<10000x128xf32, #tpu.memory_space<vmem_shared>> -> memref<112x128xf32, #tpu.memory_space<vmem_shared>>
      %dma_wait3A_114 = arith.constant 0 : i32
      %dma_wait3A_115 = arith.constant 0 : i32
      %dma_wait3A_116 = tpu.memref_slice %arg6[%dma_wait3A_114, %dma_wait3A_115] : memref<128x128xf32, #tpu.memory_space<vmem>> -> memref<112x128xf32, #tpu.memory_space<vmem>>
      tpu.wait_dma2 semaphore(%run_scoped3A : memref<!tpu.dma_semaphore, #tpu.memory_space<semaphore_mem>>) src(%dma_wait3A_116 : memref<112x128xf32, #tpu.memory_space<vmem>>) dst(%dma_wait3A_113 : memref<112x128xf32, #tpu.memory_space<vmem_shared>>)
      tpu.yield
    }) : () -> ()
    %convert_element_type3A_80 = arith.extui %eq3A_0 : i1 to i32
    %cond3A_81 = arith.constant 0 : i32
    %cond3A_82 = arith.cmpi ne, %convert_element_type3A_80, %cond3A_81 : i32
    scf.if %cond3A_82 {
      "tpu.region"() ({
        %run_scoped3A = tpu.sem_alloc : memref<!tpu.dma_semaphore, #tpu.memory_space<semaphore_mem>>
        %dma_start3A = arith.constant 0 : i32
        %dma_start3A_99 = arith.constant 0 : i32
        %dma_start3A_100 = tpu.memref_slice %arg6[%dma_start3A, %dma_start3A_99] : memref<128x128xf32, #tpu.memory_space<vmem>> -> memref<16x128xf32, #tpu.memory_space<vmem>>
        %dma_start3A_101 = arith.constant 9984 : i32
        %dma_start3A_102 = arith.constant 0 : i32
        %dma_start3A_103 = tpu.memref_slice %arg7[%dma_start3A_101, %dma_start3A_102] : memref<10000x128xf32, #tpu.memory_space<vmem_shared>> -> memref<16x128xf32, #tpu.memory_space<vmem_shared>>
        %dma_start3A_104 = arith.constant 9984 : i32
        %dma_start3A_105 = arith.constant 0 : i32
        %dma_start3A_106 = tpu.memref_slice %arg7[%dma_start3A_104, %dma_start3A_105] : memref<10000x128xf32, #tpu.memory_space<vmem_shared>> -> memref<16x128xf32, #tpu.memory_space<vmem_shared>>
        %dma_start3A_107 = arith.constant 0 : i32
        %dma_start3A_108 = arith.constant 0 : i32
        %dma_start3A_109 = tpu.memref_slice %arg6[%dma_start3A_107, %dma_start3A_108] : memref<128x128xf32, #tpu.memory_space<vmem>> -> memref<16x128xf32, #tpu.memory_space<vmem>>
        tpu.enqueue_dma source(%dma_start3A_109 : memref<16x128xf32, #tpu.memory_space<vmem>>) target(%dma_start3A_106 : memref<16x128xf32, #tpu.memory_space<vmem_shared>>) target_semaphore(%run_scoped3A : memref<!tpu.dma_semaphore, #tpu.memory_space<semaphore_mem>>)
        %dma_wait3A = arith.constant 0 : i32
        %dma_wait3A_110 = arith.constant 0 : i32
        %dma_wait3A_111 = tpu.memref_slice %arg6[%dma_wait3A, %dma_wait3A_110] : memref<128x128xf32, #tpu.memory_space<vmem>> -> memref<16x128xf32, #tpu.memory_space<vmem>>
        %dma_wait3A_112 = arith.constant 9984 : i32
        %dma_wait3A_113 = arith.constant 0 : i32
        %dma_wait3A_114 = tpu.memref_slice %arg7[%dma_wait3A_112, %dma_wait3A_113] : memref<10000x128xf32, #tpu.memory_space<vmem_shared>> -> memref<16x128xf32, #tpu.memory_space<vmem_shared>>
        %dma_wait3A_115 = arith.constant 9984 : i32
        %dma_wait3A_116 = arith.constant 0 : i32
        %dma_wait3A_117 = tpu.memref_slice %arg7[%dma_wait3A_115, %dma_wait3A_116] : memref<10000x128xf32, #tpu.memory_space<vmem_shared>> -> memref<16x128xf32, #tpu.memory_space<vmem_shared>>
        %dma_wait3A_118 = arith.constant 0 : i32
        %dma_wait3A_119 = arith.constant 0 : i32
        %dma_wait3A_120 = tpu.memref_slice %arg6[%dma_wait3A_118, %dma_wait3A_119] : memref<128x128xf32, #tpu.memory_space<vmem>> -> memref<16x128xf32, #tpu.memory_space<vmem>>
        tpu.wait_dma2 semaphore(%run_scoped3A : memref<!tpu.dma_semaphore, #tpu.memory_space<semaphore_mem>>) src(%dma_wait3A_120 : memref<16x128xf32, #tpu.memory_space<vmem>>) dst(%dma_wait3A_117 : memref<16x128xf32, #tpu.memory_space<vmem_shared>>)
        tpu.yield
      }) : () -> ()
    } else {
    }
    %barrier3A_83 = arith.constant 0 : index
    tpu.barrier barrier_id(%barrier3A_83)
    %scan3A_84 = arith.constant 0 : i32
    %scan3A_85 = arith.constant 0 : i32
    %scan3A_86 = arith.constant 80 : i32
    %scan3A_87 = arith.addi %scan3A_85, %scan3A_86 : i32
    %scan3A_88 = arith.constant 1 : i32
    scf.for %scan3A_99 = %scan3A_85 to %scan3A_87 step %scan3A_88  : i32 {
      %mul3A_100 = arith.constant 80 : i32
      %mul3A_101 = arith.muli %arg1, %mul3A_100 : i32
      %add3A_102 = arith.addi %mul3A_101, %scan3A_99 : i32
      %mul3A_103 = arith.constant 128 : i32
      %mul3A_104 = arith.muli %add3A_102, %mul3A_103 : i32
      "tpu.region"() ({
        %run_scoped3A = tpu.sem_alloc : memref<!tpu.dma_semaphore, #tpu.memory_space<semaphore_mem>>
        %dma_start3A = tpu.memref_slice %arg2[%mul3A_104, %mul3A_53] : memref<163840x512xf32, #tpu.memory_space<hbm>> -> memref<128x128xf32, #tpu.memory_space<hbm>>
        %dma_start3A_105 = tpu.memref_slice %arg2[%mul3A_104, %mul3A_53] : memref<163840x512xf32, #tpu.memory_space<hbm>> -> memref<128x128xf32, #tpu.memory_space<hbm>>
        tpu.enqueue_dma source(%dma_start3A_105 : memref<128x128xf32, #tpu.memory_space<hbm>>) target(%arg6 : memref<128x128xf32, #tpu.memory_space<vmem>>) target_semaphore(%run_scoped3A : memref<!tpu.dma_semaphore, #tpu.memory_space<semaphore_mem>>)
        %dma_wait3A = tpu.memref_slice %arg2[%mul3A_104, %mul3A_53] : memref<163840x512xf32, #tpu.memory_space<hbm>> -> memref<128x128xf32, #tpu.memory_space<hbm>>
        %dma_wait3A_106 = tpu.memref_slice %arg2[%mul3A_104, %mul3A_53] : memref<163840x512xf32, #tpu.memory_space<hbm>> -> memref<128x128xf32, #tpu.memory_space<hbm>>
        tpu.wait_dma2 semaphore(%run_scoped3A : memref<!tpu.dma_semaphore, #tpu.memory_space<semaphore_mem>>) src(%dma_wait3A_106 : memref<128x128xf32, #tpu.memory_space<hbm>>) dst(%arg6 : memref<128x128xf32, #tpu.memory_space<vmem>>)
        tpu.yield
      }) : () -> ()
      "tpu.region"() ({
        %run_scoped3A = tpu.sem_alloc : memref<!tpu.dma_semaphore, #tpu.memory_space<semaphore_mem>>
        %dma_start3A = arith.constant 0 : i32
        %dma_start3A_105 = tpu.memref_slice %arg5[%scan3A_99, %dma_start3A] : memref<80x128xi32, #tpu.memory_space<vmem>> -> memref<1x128xi32, #tpu.memory_space<vmem>>
        %dma_start3A_106 = tpu.memref_squeeze %dma_start3A_105 : memref<1x128xi32, #tpu.memory_space<vmem>> -> memref<128xi32, #tpu.memory_space<vmem>>
        %dma_start3A_107 = arith.constant 0 : i32
        %dma_start3A_108 = arith.constant 0 : i32
        %dma_start3A_109 = tpu.memref_slice %arg7[%dma_start3A_107, %dma_start3A_108] : memref<10000x128xf32, #tpu.memory_space<vmem_shared>> -> memref<10000x128xf32, #tpu.memory_space<vmem_shared>>
        tpu.enqueue_indirect_dma source(%arg6 : memref<128x128xf32, #tpu.memory_space<vmem>>) target(%dma_start3A_109 : memref<10000x128xf32, #tpu.memory_space<vmem_shared>>) offsets(%dma_start3A_106 : memref<128xi32, #tpu.memory_space<vmem>>) semaphore(%run_scoped3A : memref<!tpu.dma_semaphore, #tpu.memory_space<semaphore_mem>>) {add = true}
        %dma_wait3A = arith.constant 0 : i32
        %dma_wait3A_110 = tpu.memref_slice %arg5[%scan3A_99, %dma_wait3A] : memref<80x128xi32, #tpu.memory_space<vmem>> -> memref<1x128xi32, #tpu.memory_space<vmem>>
        %dma_wait3A_111 = tpu.memref_squeeze %dma_wait3A_110 : memref<1x128xi32, #tpu.memory_space<vmem>> -> memref<128xi32, #tpu.memory_space<vmem>>
        %dma_wait3A_112 = arith.constant 0 : i32
        %dma_wait3A_113 = arith.constant 0 : i32
        %dma_wait3A_114 = tpu.memref_slice %arg7[%dma_wait3A_112, %dma_wait3A_113] : memref<10000x128xf32, #tpu.memory_space<vmem_shared>> -> memref<10000x128xf32, #tpu.memory_space<vmem_shared>>
        tpu.wait_indirect_dma semaphore(%run_scoped3A : memref<!tpu.dma_semaphore, #tpu.memory_space<semaphore_mem>>) src(%arg6 : memref<128x128xf32, #tpu.memory_space<vmem>>) dst(%dma_wait3A_114 : memref<10000x128xf32, #tpu.memory_space<vmem_shared>>)
        tpu.yield
      }) : () -> ()
    }
    %scan3A_89 = arith.constant 80 : i32
    %barrier3A_90 = arith.constant 0 : index
    tpu.barrier barrier_id(%barrier3A_90)
    %mul3A_91 = arith.constant 624 : i32
    %mul3A_92 = arith.muli %arg1, %mul3A_91 : i32
    %mul3A_93 = arith.constant 624 : i32
    %mul3A_94 = arith.muli %arg1, %mul3A_93 : i32
    "tpu.region"() ({
      %run_scoped3A = tpu.sem_alloc : memref<!tpu.dma_semaphore, #tpu.memory_space<semaphore_mem>>
      %dma_start3A = tpu.memref_slice %arg4[%mul3A_94, %mul3A_53] : memref<10000x512xf32, #tpu.memory_space<hbm>> -> memref<624x128xf32, #tpu.memory_space<hbm>>
      %dma_start3A_99 = arith.constant 0 : i32
      %dma_start3A_100 = tpu.memref_slice %arg7[%mul3A_92, %dma_start3A_99] : memref<10000x128xf32, #tpu.memory_space<vmem_shared>> -> memref<624x128xf32, #tpu.memory_space<vmem_shared>>
      tpu.enqueue_dma source(%dma_start3A_100 : memref<624x128xf32, #tpu.memory_space<vmem_shared>>) target(%dma_start3A : memref<624x128xf32, #tpu.memory_space<hbm>>) target_semaphore(%run_scoped3A : memref<!tpu.dma_semaphore, #tpu.memory_space<semaphore_mem>>)
      %dma_wait3A = tpu.memref_slice %arg4[%mul3A_94, %mul3A_53] : memref<10000x512xf32, #tpu.memory_space<hbm>> -> memref<624x128xf32, #tpu.memory_space<hbm>>
      %dma_wait3A_101 = arith.constant 0 : i32
      %dma_wait3A_102 = tpu.memref_slice %arg7[%mul3A_92, %dma_wait3A_101] : memref<10000x128xf32, #tpu.memory_space<vmem_shared>> -> memref<624x128xf32, #tpu.memory_space<vmem_shared>>
      tpu.wait_dma2 semaphore(%run_scoped3A : memref<!tpu.dma_semaphore, #tpu.memory_space<semaphore_mem>>) src(%dma_wait3A_102 : memref<624x128xf32, #tpu.memory_space<vmem_shared>>) dst(%dma_wait3A : memref<624x128xf32, #tpu.memory_space<hbm>>)
      tpu.yield
    }) : () -> ()
    %convert_element_type3A_95 = arith.extui %eq3A_0 : i1 to i32
    %cond3A_96 = arith.constant 0 : i32
    %cond3A_97 = arith.cmpi ne, %convert_element_type3A_95, %cond3A_96 : i32
    scf.if %cond3A_97 {
      "tpu.region"() ({
        %run_scoped3A = tpu.sem_alloc : memref<!tpu.dma_semaphore, #tpu.memory_space<semaphore_mem>>
        %dma_start3A = arith.constant 9984 : i32
        %dma_start3A_99 = tpu.memref_slice %arg4[%dma_start3A, %mul3A_53] : memref<10000x512xf32, #tpu.memory_space<hbm>> -> memref<16x128xf32, #tpu.memory_space<hbm>>
        %dma_start3A_100 = arith.constant 9984 : i32
        %dma_start3A_101 = arith.constant 0 : i32
        %dma_start3A_102 = tpu.memref_slice %arg7[%dma_start3A_100, %dma_start3A_101] : memref<10000x128xf32, #tpu.memory_space<vmem_shared>> -> memref<16x128xf32, #tpu.memory_space<vmem_shared>>
        tpu.enqueue_dma source(%dma_start3A_102 : memref<16x128xf32, #tpu.memory_space<vmem_shared>>) target(%dma_start3A_99 : memref<16x128xf32, #tpu.memory_space<hbm>>) target_semaphore(%run_scoped3A : memref<!tpu.dma_semaphore, #tpu.memory_space<semaphore_mem>>)
        %dma_wait3A = arith.constant 9984 : i32
        %dma_wait3A_103 = tpu.memref_slice %arg4[%dma_wait3A, %mul3A_53] : memref<10000x512xf32, #tpu.memory_space<hbm>> -> memref<16x128xf32, #tpu.memory_space<hbm>>
        %dma_wait3A_104 = arith.constant 9984 : i32
        %dma_wait3A_105 = arith.constant 0 : i32
        %dma_wait3A_106 = tpu.memref_slice %arg7[%dma_wait3A_104, %dma_wait3A_105] : memref<10000x128xf32, #tpu.memory_space<vmem_shared>> -> memref<16x128xf32, #tpu.memory_space<vmem_shared>>
        tpu.wait_dma2 semaphore(%run_scoped3A : memref<!tpu.dma_semaphore, #tpu.memory_space<semaphore_mem>>) src(%dma_wait3A_106 : memref<16x128xf32, #tpu.memory_space<vmem_shared>>) dst(%dma_wait3A_103 : memref<16x128xf32, #tpu.memory_space<hbm>>)
        tpu.yield
      }) : () -> ()
    } else {
    }
    %barrier3A_98 = arith.constant 0 : index
    tpu.barrier barrier_id(%barrier3A_98)
    return
  }
}

module attributes {stable_mosaic.version = 14 : i64} {
  func.func @_vl_body(%arg0: i32, %arg1: memref<3x1000x128xf32, #tpu.memory_space<vmem>>, %arg2: memref<128x128xf32, #tpu.memory_space<vmem>>, %arg3: memref<1000x384xf32, #tpu.memory_space<vmem>>) attributes {dimension_semantics = [#tpu.dimension_semantics<arbitrary>], iteration_bounds = array<i64: 10>, scalar_prefetch = 0 : i64, scratch_operands = 0 : i64, tpu.core_type = #tpu.core_type<tc>, window_params = [{transform_indices = @transform_0, window_bounds = array<i64: 3, 1000, 128>}, {pipeline_mode = #tpu.pipeline_mode<synchronous>, transform_indices = @transform_1, window_bounds = array<i64: 128, 128>}, {transform_indices = @transform_2, window_bounds = array<i64: 1000, 384>}]} {
    %get3A = arith.constant 0 : index
    %get3A_0 = arith.constant 0 : index
    %get3A_1 = vector.load %arg2[%get3A, %get3A_0] : memref<128x128xf32, #tpu.memory_space<vmem>>, vector<128x128xf32>
    %get3A_2 = arith.constant 0 : index
    %get3A_3 = arith.constant 0 : index
    %get3A_4 = arith.constant 0 : index
    %get3A_5 = vector.load %arg1[%get3A_2, %get3A_3, %get3A_4] : memref<3x1000x128xf32, #tpu.memory_space<vmem>>, vector<1x1000x128xf32>
    %get3A_6 = vector.shape_cast %get3A_5 : vector<1x1000x128xf32> to vector<1000x128xf32>
    %dot_general3A = arith.constant dense<0.000000e+00> : vector<1000x128xf32>
    %dot_general3A_7 = tpu.matmul %get3A_6, %get3A_1, %dot_general3A {dimension_numbers = #tpu.dot_dimension_numbers<[1], [0], [0], [1], [0, 0, 1, 1], [], []>, transpose_lhs_hint = false} : vector<1000x128xf32>, vector<128x128xf32>, vector<1000x128xf32> -> vector<1000x128xf32>
    %get3A_8 = arith.constant 1 : index
    %get3A_9 = arith.constant 0 : index
    %get3A_10 = arith.constant 0 : index
    %get3A_11 = vector.load %arg1[%get3A_8, %get3A_9, %get3A_10] : memref<3x1000x128xf32, #tpu.memory_space<vmem>>, vector<1x1000x128xf32>
    %get3A_12 = vector.shape_cast %get3A_11 : vector<1x1000x128xf32> to vector<1000x128xf32>
    %dot_general3A_13 = arith.constant dense<0.000000e+00> : vector<1000x128xf32>
    %dot_general3A_14 = tpu.matmul %get3A_12, %get3A_1, %dot_general3A_13 {dimension_numbers = #tpu.dot_dimension_numbers<[1], [0], [0], [1], [0, 0, 1, 1], [], []>, transpose_lhs_hint = false} : vector<1000x128xf32>, vector<128x128xf32>, vector<1000x128xf32> -> vector<1000x128xf32>
    %get3A_15 = arith.constant 2 : index
    %get3A_16 = arith.constant 0 : index
    %get3A_17 = arith.constant 0 : index
    %get3A_18 = vector.load %arg1[%get3A_15, %get3A_16, %get3A_17] : memref<3x1000x128xf32, #tpu.memory_space<vmem>>, vector<1x1000x128xf32>
    %get3A_19 = vector.shape_cast %get3A_18 : vector<1x1000x128xf32> to vector<1000x128xf32>
    %dot_general3A_20 = arith.constant dense<0.000000e+00> : vector<1000x128xf32>
    %dot_general3A_21 = tpu.matmul %get3A_19, %get3A_1, %dot_general3A_20 {dimension_numbers = #tpu.dot_dimension_numbers<[1], [0], [0], [1], [0, 0, 1, 1], [], []>, transpose_lhs_hint = false} : vector<1000x128xf32>, vector<128x128xf32>, vector<1000x128xf32> -> vector<1000x128xf32>
    %concatenate3A = tpu.concatenate %dot_general3A_7, %dot_general3A_14, %dot_general3A_21 in 1 : vector<1000x128xf32>, vector<1000x128xf32>, vector<1000x128xf32> -> vector<1000x384xf32>
    %swap3A = arith.constant 0 : index
    %swap3A_22 = arith.constant 0 : index
    %swap3A_23 = vector.load %arg3[%swap3A, %swap3A_22] : memref<1000x384xf32, #tpu.memory_space<vmem>>, vector<1000x384xf32>
    tpu.vector_store %arg3[%swap3A, %swap3A_22], %concatenate3A {strides = array<i32>} : memref<1000x384xf32, #tpu.memory_space<vmem>>, vector<1000x384xf32>,
    return
  }
  func.func @transform_0(%arg0: i32) -> (i32, i32, i32) {
    %c0_i32 = arith.constant 0 : i32
    %c0_i32_0 = arith.constant 0 : i32
    %c0_i32_1 = arith.constant 0 : i32
    return %c0_i32, %arg0, %c0_i32_0 : i32, i32, i32
  }
  func.func @transform_1(%arg0: i32) -> (i32, i32) {
    %c0_i32 = arith.constant 0 : i32
    %c0_i32_0 = arith.constant 0 : i32
    %c0_i32_1 = arith.constant 0 : i32
    return %c0_i32, %c0_i32_0 : i32, i32
  }
  func.func @transform_2(%arg0: i32) -> (i32, i32) {
    %c0_i32 = arith.constant 0 : i32
    %c0_i32_0 = arith.constant 0 : i32
    return %arg0, %c0_i32 : i32, i32
  }
}

module attributes {stable_mosaic.version = 14 : i64} {
  func.func @_edge_body(%arg0: i32, %arg1: memref<1024x1xf32, #tpu.memory_space<vmem>>, %arg2: memref<1024x3xf32, #tpu.memory_space<vmem>>, %arg3: memref<1024x128xf32, #tpu.memory_space<vmem>>, %arg4: memref<1024x128xf32, #tpu.memory_space<vmem>>, %arg5: memref<1024x384xf32, #tpu.memory_space<vmem>>, %arg6: memref<1x50xf32, #tpu.memory_space<vmem>>, %arg7: memref<1x50xf32, #tpu.memory_space<vmem>>, %arg8: memref<50x128xf32, #tpu.memory_space<vmem>>, %arg9: memref<1x128xf32, #tpu.memory_space<vmem>>, %arg10: memref<128x128xf32, #tpu.memory_space<vmem>>, %arg11: memref<1x128xf32, #tpu.memory_space<vmem>>, %arg12: memref<128x128xf32, #tpu.memory_space<vmem>>, %arg13: memref<1x128xf32, #tpu.memory_space<vmem>>, %arg14: memref<128x128xf32, #tpu.memory_space<vmem>>, %arg15: memref<128x128xf32, #tpu.memory_space<vmem>>, %arg16: memref<1x128xf32, #tpu.memory_space<vmem>>, %arg17: memref<128x128xf32, #tpu.memory_space<vmem>>, %arg18: memref<1x128xf32, #tpu.memory_space<vmem>>, %arg19: memref<1024x512xf32, #tpu.memory_space<vmem>>) attributes {dimension_semantics = [#tpu.dimension_semantics<arbitrary>], iteration_bounds = array<i64: 160>, scalar_prefetch = 0 : i64, scratch_operands = 0 : i64, tpu.core_type = #tpu.core_type<tc>, window_params = [{transform_indices = @transform_0, window_bounds = array<i64: 1024, 1>}, {transform_indices = @transform_1, window_bounds = array<i64: 1024, 3>}, {transform_indices = @transform_2, window_bounds = array<i64: 1024, 128>}, {transform_indices = @transform_3, window_bounds = array<i64: 1024, 128>}, {transform_indices = @transform_4, window_bounds = array<i64: 1024, 384>}, {pipeline_mode = #tpu.pipeline_mode<synchronous>, transform_indices = @transform_5, window_bounds = array<i64: 1, 50>}, {pipeline_mode = #tpu.pipeline_mode<synchronous>, transform_indices = @transform_6, window_bounds = array<i64: 1, 50>}, {pipeline_mode = #tpu.pipeline_mode<synchronous>, transform_indices = @transform_7, window_bounds = array<i64: 50, 128>}, {pipeline_mode = #tpu.pipeline_mode<synchronous>, transform_indices = @transform_8, window_bounds = array<i64: 1, 128>}, {pipeline_mode = #tpu.pipeline_mode<synchronous>, transform_indices = @transform_9, window_bounds = array<i64: 128, 128>}, {pipeline_mode = #tpu.pipeline_mode<synchronous>, transform_indices = @transform_10, window_bounds = array<i64: 1, 128>}, {pipeline_mode = #tpu.pipeline_mode<synchronous>, transform_indices = @transform_11, window_bounds = array<i64: 128, 128>}, {pipeline_mode = #tpu.pipeline_mode<synchronous>, transform_indices = @transform_12, window_bounds = array<i64: 1, 128>}, {pipeline_mode = #tpu.pipeline_mode<synchronous>, transform_indices = @transform_13, window_bounds = array<i64: 128, 128>}, {pipeline_mode = #tpu.pipeline_mode<synchronous>, transform_indices = @transform_14, window_bounds = array<i64: 128, 128>}, {pipeline_mode = #tpu.pipeline_mode<synchronous>, transform_indices = @transform_15, window_bounds = array<i64: 1, 128>}, {pipeline_mode = #tpu.pipeline_mode<synchronous>, transform_indices = @transform_16, window_bounds = array<i64: 128, 128>}, {pipeline_mode = #tpu.pipeline_mode<synchronous>, transform_indices = @transform_17, window_bounds = array<i64: 1, 128>}, {transform_indices = @transform_18, window_bounds = array<i64: 1024, 512>}]} {
    %get3A = arith.constant 0 : index
    %get3A_0 = arith.constant 0 : index
    %get3A_1 = vector.load %arg1[%get3A, %get3A_0] : memref<1024x1xf32, #tpu.memory_space<vmem>>, vector<1024x1xf32>
    %get3A_2 = arith.constant 0 : index
    %get3A_3 = arith.constant 0 : index
    %get3A_4 = vector.load %arg6[%get3A_2, %get3A_3] : memref<1x50xf32, #tpu.memory_space<vmem>>, vector<1x50xf32>
    %sub3A = vector.broadcast %get3A_1 : vector<1024x1xf32> to vector<1024x50xf32>
    %sub3A_5 = vector.broadcast %get3A_4 : vector<1x50xf32> to vector<1024x50xf32>
    %sub3A_6 = arith.subf %sub3A, %sub3A_5 : vector<1024x50xf32>
    %get3A_7 = arith.constant 0 : index
    %get3A_8 = arith.constant 0 : index
    %get3A_9 = vector.load %arg7[%get3A_7, %get3A_8] : memref<1x50xf32, #tpu.memory_space<vmem>>, vector<1x50xf32>
    %div3A = vector.broadcast %get3A_9 : vector<1x50xf32> to vector<1024x50xf32>
    %div3A_10 = arith.divf %sub3A_6, %div3A : vector<1024x50xf32>
    %mul3A = arith.mulf %div3A_10, %div3A_10 : vector<1024x50xf32>
    %neg3A = arith.constant 0.000000e+00 : f32
    %neg3A_11 = vector.broadcast %neg3A : f32 to vector<1024x50xf32>
    %neg3A_12 = arith.subf %neg3A_11, %mul3A : vector<1024x50xf32>
    %exp3A = math.exp %neg3A_12 : vector<1024x50xf32>
    %mul3A_13 = arith.constant 0.314159274 : f32
    %mul3A_14 = vector.broadcast %mul3A_13 : f32 to vector<1024x1xf32>
    %mul3A_15 = arith.mulf %mul3A_14, %get3A_1 : vector<1024x1xf32>
    %cos3A = math.cos %mul3A_15 : vector<1024x1xf32>
    %add3A = arith.constant 1.000000e+00 : f32
    %add3A_16 = vector.broadcast %add3A : f32 to vector<1024x1xf32>
    %add3A_17 = arith.addf %cos3A, %add3A_16 : vector<1024x1xf32>
    %mul3A_18 = arith.constant 5.000000e-01 : f32
    %mul3A_19 = vector.broadcast %mul3A_18 : f32 to vector<1024x1xf32>
    %mul3A_20 = arith.mulf %mul3A_19, %add3A_17 : vector<1024x1xf32>
    %lt3A = arith.constant 1.000000e+01 : f32
    %lt3A_21 = vector.broadcast %lt3A : f32 to vector<1024x1xf32>
    %lt3A_22 = arith.cmpf olt, %get3A_1, %lt3A_21 : vector<1024x1xf32>
    %convert_element_type3A = arith.extui %lt3A_22 : vector<1024x1xi1> to vector<1024x1xi32>
    %convert_element_type3A_23 = arith.sitofp %convert_element_type3A : vector<1024x1xi32> to vector<1024x1xf32>
    %mul3A_24 = arith.mulf %mul3A_20, %convert_element_type3A_23 : vector<1024x1xf32>
    %get3A_25 = arith.constant 0 : index
    %get3A_26 = arith.constant 0 : index
    %get3A_27 = vector.load %arg8[%get3A_25, %get3A_26] : memref<50x128xf32, #tpu.memory_space<vmem>>, vector<50x128xf32>
    %dot_general3A = arith.constant dense<0.000000e+00> : vector<1024x128xf32>
    %dot_general3A_28 = tpu.matmul %exp3A, %get3A_27, %dot_general3A {dimension_numbers = #tpu.dot_dimension_numbers<[1], [0], [0], [1], [0, 0, 1, 1], [], []>, transpose_lhs_hint = false} : vector<1024x50xf32>, vector<50x128xf32>, vector<1024x128xf32> -> vector<1024x128xf32>
    %get3A_29 = arith.constant 0 : index
    %get3A_30 = arith.constant 0 : index
    %get3A_31 = vector.load %arg9[%get3A_29, %get3A_30] : memref<1x128xf32, #tpu.memory_space<vmem>>, vector<1x128xf32>
    %add3A_32 = vector.broadcast %get3A_31 : vector<1x128xf32> to vector<1024x128xf32>
    %add3A_33 = arith.addf %dot_general3A_28, %add3A_32 : vector<1024x128xf32>
    %neg3A_34 = arith.constant 0.000000e+00 : f32
    %neg3A_35 = vector.broadcast %neg3A_34 : f32 to vector<1024x128xf32>
    %neg3A_36 = arith.subf %neg3A_35, %add3A_33 : vector<1024x128xf32>
    %exp3A_37 = math.exp %neg3A_36 : vector<1024x128xf32>
    %add3A_38 = arith.constant 1.000000e+00 : f32
    %add3A_39 = vector.broadcast %add3A_38 : f32 to vector<1024x128xf32>
    %add3A_40 = arith.addf %add3A_39, %exp3A_37 : vector<1024x128xf32>
    %div3A_41 = arith.divf %add3A_33, %add3A_40 : vector<1024x128xf32>
    %get3A_42 = arith.constant 0 : index
    %get3A_43 = arith.constant 0 : index
    %get3A_44 = vector.load %arg10[%get3A_42, %get3A_43] : memref<128x128xf32, #tpu.memory_space<vmem>>, vector<128x128xf32>
    %dot_general3A_45 = arith.constant dense<0.000000e+00> : vector<1024x128xf32>
    %dot_general3A_46 = tpu.matmul %div3A_41, %get3A_44, %dot_general3A_45 {dimension_numbers = #tpu.dot_dimension_numbers<[1], [0], [0], [1], [0, 0, 1, 1], [], []>, transpose_lhs_hint = false} : vector<1024x128xf32>, vector<128x128xf32>, vector<1024x128xf32> -> vector<1024x128xf32>
    %get3A_47 = arith.constant 0 : index
    %get3A_48 = arith.constant 0 : index
    %get3A_49 = vector.load %arg11[%get3A_47, %get3A_48] : memref<1x128xf32, #tpu.memory_space<vmem>>, vector<1x128xf32>
    %add3A_50 = vector.broadcast %get3A_49 : vector<1x128xf32> to vector<1024x128xf32>
    %add3A_51 = arith.addf %dot_general3A_46, %add3A_50 : vector<1024x128xf32>
    %neg3A_52 = arith.constant 0.000000e+00 : f32
    %neg3A_53 = vector.broadcast %neg3A_52 : f32 to vector<1024x128xf32>
    %neg3A_54 = arith.subf %neg3A_53, %add3A_51 : vector<1024x128xf32>
    %exp3A_55 = math.exp %neg3A_54 : vector<1024x128xf32>
    %add3A_56 = arith.constant 1.000000e+00 : f32
    %add3A_57 = vector.broadcast %add3A_56 : f32 to vector<1024x128xf32>
    %add3A_58 = arith.addf %add3A_57, %exp3A_55 : vector<1024x128xf32>
    %div3A_59 = arith.divf %add3A_51, %add3A_58 : vector<1024x128xf32>
    %get3A_60 = arith.constant 0 : index
    %get3A_61 = arith.constant 0 : index
    %get3A_62 = vector.load %arg12[%get3A_60, %get3A_61] : memref<128x128xf32, #tpu.memory_space<vmem>>, vector<128x128xf32>
    %dot_general3A_63 = arith.constant dense<0.000000e+00> : vector<1024x128xf32>
    %dot_general3A_64 = tpu.matmul %div3A_59, %get3A_62, %dot_general3A_63 {dimension_numbers = #tpu.dot_dimension_numbers<[1], [0], [0], [1], [0, 0, 1, 1], [], []>, transpose_lhs_hint = false} : vector<1024x128xf32>, vector<128x128xf32>, vector<1024x128xf32> -> vector<1024x128xf32>
    %get3A_65 = arith.constant 0 : index
    %get3A_66 = arith.constant 0 : index
    %get3A_67 = vector.load %arg13[%get3A_65, %get3A_66] : memref<1x128xf32, #tpu.memory_space<vmem>>, vector<1x128xf32>
    %add3A_68 = vector.broadcast %get3A_67 : vector<1x128xf32> to vector<1024x128xf32>
    %add3A_69 = arith.addf %dot_general3A_64, %add3A_68 : vector<1024x128xf32>
    %mul3A_70 = vector.broadcast %mul3A_24 : vector<1024x1xf32> to vector<1024x128xf32>
    %mul3A_71 = arith.mulf %add3A_69, %mul3A_70 : vector<1024x128xf32>
    %get3A_72 = arith.constant 0 : index
    %get3A_73 = arith.constant 0 : index
    %get3A_74 = vector.load %arg3[%get3A_72, %get3A_73] : memref<1024x128xf32, #tpu.memory_space<vmem>>, vector<1024x128xf32>
    %get3A_75 = arith.constant 0 : index
    %get3A_76 = arith.constant 0 : index
    %get3A_77 = vector.load %arg14[%get3A_75, %get3A_76] : memref<128x128xf32, #tpu.memory_space<vmem>>, vector<128x128xf32>
    %dot_general3A_78 = arith.constant dense<0.000000e+00> : vector<1024x128xf32>
    %dot_general3A_79 = tpu.matmul %get3A_74, %get3A_77, %dot_general3A_78 {dimension_numbers = #tpu.dot_dimension_numbers<[1], [0], [0], [1], [0, 0, 1, 1], [], []>, transpose_lhs_hint = false} : vector<1024x128xf32>, vector<128x128xf32>, vector<1024x128xf32> -> vector<1024x128xf32>
    %get3A_80 = arith.constant 0 : index
    %get3A_81 = arith.constant 0 : index
    %get3A_82 = vector.load %arg4[%get3A_80, %get3A_81] : memref<1024x128xf32, #tpu.memory_space<vmem>>, vector<1024x128xf32>
    %get3A_83 = arith.constant 0 : index
    %get3A_84 = arith.constant 0 : index
    %get3A_85 = vector.load %arg15[%get3A_83, %get3A_84] : memref<128x128xf32, #tpu.memory_space<vmem>>, vector<128x128xf32>
    %dot_general3A_86 = arith.constant dense<0.000000e+00> : vector<1024x128xf32>
    %dot_general3A_87 = tpu.matmul %get3A_82, %get3A_85, %dot_general3A_86 {dimension_numbers = #tpu.dot_dimension_numbers<[1], [0], [0], [1], [0, 0, 1, 1], [], []>, transpose_lhs_hint = false} : vector<1024x128xf32>, vector<128x128xf32>, vector<1024x128xf32> -> vector<1024x128xf32>
    %add3A_88 = arith.addf %dot_general3A_79, %dot_general3A_87 : vector<1024x128xf32>
    %get3A_89 = arith.constant 0 : index
    %get3A_90 = arith.constant 0 : index
    %get3A_91 = vector.load %arg16[%get3A_89, %get3A_90] : memref<1x128xf32, #tpu.memory_space<vmem>>, vector<1x128xf32>
    %add3A_92 = vector.broadcast %get3A_91 : vector<1x128xf32> to vector<1024x128xf32>
    %add3A_93 = arith.addf %add3A_88, %add3A_92 : vector<1024x128xf32>
    %neg3A_94 = arith.constant 0.000000e+00 : f32
    %neg3A_95 = vector.broadcast %neg3A_94 : f32 to vector<1024x128xf32>
    %neg3A_96 = arith.subf %neg3A_95, %add3A_93 : vector<1024x128xf32>
    %exp3A_97 = math.exp %neg3A_96 : vector<1024x128xf32>
    %add3A_98 = arith.constant 1.000000e+00 : f32
    %add3A_99 = vector.broadcast %add3A_98 : f32 to vector<1024x128xf32>
    %add3A_100 = arith.addf %add3A_99, %exp3A_97 : vector<1024x128xf32>
    %div3A_101 = arith.divf %add3A_93, %add3A_100 : vector<1024x128xf32>
    %get3A_102 = arith.constant 0 : index
    %get3A_103 = arith.constant 0 : index
    %get3A_104 = vector.load %arg17[%get3A_102, %get3A_103] : memref<128x128xf32, #tpu.memory_space<vmem>>, vector<128x128xf32>
    %dot_general3A_105 = arith.constant dense<0.000000e+00> : vector<1024x128xf32>
    %dot_general3A_106 = tpu.matmul %div3A_101, %get3A_104, %dot_general3A_105 {dimension_numbers = #tpu.dot_dimension_numbers<[1], [0], [0], [1], [0, 0, 1, 1], [], []>, transpose_lhs_hint = false} : vector<1024x128xf32>, vector<128x128xf32>, vector<1024x128xf32> -> vector<1024x128xf32>
    %get3A_107 = arith.constant 0 : index
    %get3A_108 = arith.constant 0 : index
    %get3A_109 = vector.load %arg18[%get3A_107, %get3A_108] : memref<1x128xf32, #tpu.memory_space<vmem>>, vector<1x128xf32>
    %add3A_110 = vector.broadcast %get3A_109 : vector<1x128xf32> to vector<1024x128xf32>
    %add3A_111 = arith.addf %dot_general3A_106, %add3A_110 : vector<1024x128xf32>
    %mul3A_112 = arith.mulf %add3A_111, %mul3A_71 : vector<1024x128xf32>
    %get3A_113 = arith.constant 0 : index
    %get3A_114 = arith.constant 0 : index
    %get3A_115 = vector.load %arg2[%get3A_113, %get3A_114] : memref<1024x3xf32, #tpu.memory_space<vmem>>, vector<1024x3xf32>
    %get3A_116 = arith.constant 0 : index
    %get3A_117 = arith.constant 0 : index
    %get3A_118 = vector.load %arg5[%get3A_116, %get3A_117] : memref<1024x384xf32, #tpu.memory_space<vmem>>, vector<1024x384xf32>
    %slice3A = vector.extract_strided_slice %get3A_118 {offsets = [0, 0], sizes = [1024, 128], strides = [1, 1]} : vector<1024x384xf32> to vector<1024x128xf32>
    %slice3A_119 = vector.extract_strided_slice %get3A_115 {offsets = [0, 0], sizes = [1024, 1], strides = [1, 1]} : vector<1024x3xf32> to vector<1024x1xf32>
    %mul3A_120 = vector.broadcast %slice3A_119 : vector<1024x1xf32> to vector<1024x128xf32>
    %mul3A_121 = arith.mulf %mul3A_120, %get3A_74 : vector<1024x128xf32>
    %add3A_122 = arith.addf %slice3A, %mul3A_121 : vector<1024x128xf32>
    %mul3A_123 = arith.mulf %mul3A_71, %add3A_122 : vector<1024x128xf32>
    %slice3A_124 = vector.extract_strided_slice %get3A_118 {offsets = [0, 128], sizes = [1024, 128], strides = [1, 1]} : vector<1024x384xf32> to vector<1024x128xf32>
    %slice3A_125 = vector.extract_strided_slice %get3A_115 {offsets = [0, 1], sizes = [1024, 1], strides = [1, 1]} : vector<1024x3xf32> to vector<1024x1xf32>
    %mul3A_126 = vector.broadcast %slice3A_125 : vector<1024x1xf32> to vector<1024x128xf32>
    %mul3A_127 = arith.mulf %mul3A_126, %get3A_74 : vector<1024x128xf32>
    %add3A_128 = arith.addf %slice3A_124, %mul3A_127 : vector<1024x128xf32>
    %mul3A_129 = arith.mulf %mul3A_71, %add3A_128 : vector<1024x128xf32>
    %slice3A_130 = vector.extract_strided_slice %get3A_118 {offsets = [0, 256], sizes = [1024, 128], strides = [1, 1]} : vector<1024x384xf32> to vector<1024x128xf32>
    %slice3A_131 = vector.extract_strided_slice %get3A_115 {offsets = [0, 2], sizes = [1024, 1], strides = [1, 1]} : vector<1024x3xf32> to vector<1024x1xf32>
    %mul3A_132 = vector.broadcast %slice3A_131 : vector<1024x1xf32> to vector<1024x128xf32>
    %mul3A_133 = arith.mulf %mul3A_132, %get3A_74 : vector<1024x128xf32>
    %add3A_134 = arith.addf %slice3A_130, %mul3A_133 : vector<1024x128xf32>
    %mul3A_135 = arith.mulf %mul3A_71, %add3A_134 : vector<1024x128xf32>
    %concatenate3A = tpu.concatenate %mul3A_112, %mul3A_123, %mul3A_129, %mul3A_135 in 1 : vector<1024x128xf32>, vector<1024x128xf32>, vector<1024x128xf32>, vector<1024x128xf32> -> vector<1024x512xf32>
    %swap3A = arith.constant 0 : index
    %swap3A_136 = arith.constant 0 : index
    %swap3A_137 = vector.load %arg19[%swap3A, %swap3A_136] : memref<1024x512xf32, #tpu.memory_space<vmem>>, vector<1024x512xf32>
    tpu.vector_store %arg19[%swap3A, %swap3A_136], %concatenate3A {strides = array<i32>} : memref<1024x512xf32, #tpu.memory_space<vmem>>, vector<1024x512xf32>,
    return
  }
  func.func @transform_0(%arg0: i32) -> (i32, i32) {
    %c0_i32 = arith.constant 0 : i32
    %c0_i32_0 = arith.constant 0 : i32
    return %arg0, %c0_i32 : i32, i32
  }
  func.func @transform_1(%arg0: i32) -> (i32, i32) {
    %c0_i32 = arith.constant 0 : i32
    %c0_i32_0 = arith.constant 0 : i32
    return %arg0, %c0_i32 : i32, i32
  }
  func.func @transform_2(%arg0: i32) -> (i32, i32) {
    %c0_i32 = arith.constant 0 : i32
    %c0_i32_0 = arith.constant 0 : i32
    return %arg0, %c0_i32 : i32, i32
  }
  func.func @transform_3(%arg0: i32) -> (i32, i32) {
    %c0_i32 = arith.constant 0 : i32
    %c0_i32_0 = arith.constant 0 : i32
    return %arg0, %c0_i32 : i32, i32
  }
  func.func @transform_4(%arg0: i32) -> (i32, i32) {
    %c0_i32 = arith.constant 0 : i32
    %c0_i32_0 = arith.constant 0 : i32
    return %arg0, %c0_i32 : i32, i32
  }
  func.func @transform_5(%arg0: i32) -> (i32, i32) {
    %c0_i32 = arith.constant 0 : i32
    %c0_i32_0 = arith.constant 0 : i32
    %c0_i32_1 = arith.constant 0 : i32
    return %c0_i32, %c0_i32_0 : i32, i32
  }
  func.func @transform_6(%arg0: i32) -> (i32, i32) {
    %c0_i32 = arith.constant 0 : i32
    %c0_i32_0 = arith.constant 0 : i32
    %c0_i32_1 = arith.constant 0 : i32
    return %c0_i32, %c0_i32_0 : i32, i32
  }
  func.func @transform_7(%arg0: i32) -> (i32, i32) {
    %c0_i32 = arith.constant 0 : i32
    %c0_i32_0 = arith.constant 0 : i32
    %c0_i32_1 = arith.constant 0 : i32
    return %c0_i32, %c0_i32_0 : i32, i32
  }
  func.func @transform_8(%arg0: i32) -> (i32, i32) {
    %c0_i32 = arith.constant 0 : i32
    %c0_i32_0 = arith.constant 0 : i32
    %c0_i32_1 = arith.constant 0 : i32
    return %c0_i32, %c0_i32_0 : i32, i32
  }
  func.func @transform_9(%arg0: i32) -> (i32, i32) {
    %c0_i32 = arith.constant 0 : i32
    %c0_i32_0 = arith.constant 0 : i32
    %c0_i32_1 = arith.constant 0 : i32
    return %c0_i32, %c0_i32_0 : i32, i32
  }
  func.func @transform_10(%arg0: i32) -> (i32, i32) {
    %c0_i32 = arith.constant 0 : i32
    %c0_i32_0 = arith.constant 0 : i32
    %c0_i32_1 = arith.constant 0 : i32
    return %c0_i32, %c0_i32_0 : i32, i32
  }
  func.func @transform_11(%arg0: i32) -> (i32, i32) {
    %c0_i32 = arith.constant 0 : i32
    %c0_i32_0 = arith.constant 0 : i32
    %c0_i32_1 = arith.constant 0 : i32
    return %c0_i32, %c0_i32_0 : i32, i32
  }
  func.func @transform_12(%arg0: i32) -> (i32, i32) {
    %c0_i32 = arith.constant 0 : i32
    %c0_i32_0 = arith.constant 0 : i32
    %c0_i32_1 = arith.constant 0 : i32
    return %c0_i32, %c0_i32_0 : i32, i32
  }
  func.func @transform_13(%arg0: i32) -> (i32, i32) {
    %c0_i32 = arith.constant 0 : i32
    %c0_i32_0 = arith.constant 0 : i32
    %c0_i32_1 = arith.constant 0 : i32
    return %c0_i32, %c0_i32_0 : i32, i32
  }
  func.func @transform_14(%arg0: i32) -> (i32, i32) {
    %c0_i32 = arith.constant 0 : i32
    %c0_i32_0 = arith.constant 0 : i32
    %c0_i32_1 = arith.constant 0 : i32
    return %c0_i32, %c0_i32_0 : i32, i32
  }
  func.func @transform_15(%arg0: i32) -> (i32, i32) {
    %c0_i32 = arith.constant 0 : i32
    %c0_i32_0 = arith.constant 0 : i32
    %c0_i32_1 = arith.constant 0 : i32
    return %c0_i32, %c0_i32_0 : i32, i32
  }
  func.func @transform_16(%arg0: i32) -> (i32, i32) {
    %c0_i32 = arith.constant 0 : i32
    %c0_i32_0 = arith.constant 0 : i32
    %c0_i32_1 = arith.constant 0 : i32
    return %c0_i32, %c0_i32_0 : i32, i32
  }
  func.func @transform_17(%arg0: i32) -> (i32, i32) {
    %c0_i32 = arith.constant 0 : i32
    %c0_i32_0 = arith.constant 0 : i32
    %c0_i32_1 = arith.constant 0 : i32
    return %c0_i32, %c0_i32_0 : i32, i32
  }
  func.func @transform_18(%arg0: i32) -> (i32, i32) {
    %c0_i32 = arith.constant 0 : i32
    %c0_i32_0 = arith.constant 0 : i32
    return %arg0, %c0_i32 : i32, i32
  }
}

module attributes {stable_mosaic.version = 14 : i64} {
  func.func @_node_body(%arg0: i32, %arg1: memref<1000x128xf32, #tpu.memory_space<vmem>>, %arg2: memref<1000x512xf32, #tpu.memory_space<vmem>>, %arg3: memref<3x1000x128xf32, #tpu.memory_space<vmem>>, %arg4: memref<128x128xf32, #tpu.memory_space<vmem>>, %arg5: memref<128x128xf32, #tpu.memory_space<vmem>>, %arg6: memref<1x128xf32, #tpu.memory_space<vmem>>, %arg7: memref<128x128xf32, #tpu.memory_space<vmem>>, %arg8: memref<1x128xf32, #tpu.memory_space<vmem>>, %arg9: memref<128x128xf32, #tpu.memory_space<vmem>>, %arg10: memref<1x128xf32, #tpu.memory_space<vmem>>, %arg11: memref<1x128xf32, #tpu.memory_space<vmem>>, %arg12: memref<1x128xf32, #tpu.memory_space<vmem>>, %arg13: memref<1x128xf32, #tpu.memory_space<vmem>>, %arg14: memref<1000x128xf32, #tpu.memory_space<vmem>>, %arg15: memref<3x1000x128xf32, #tpu.memory_space<vmem>>) attributes {dimension_semantics = [#tpu.dimension_semantics<arbitrary>], iteration_bounds = array<i64: 10>, scalar_prefetch = 0 : i64, scratch_operands = 0 : i64, tpu.core_type = #tpu.core_type<tc>, window_params = [{transform_indices = @transform_0, window_bounds = array<i64: 1000, 128>}, {transform_indices = @transform_1, window_bounds = array<i64: 1000, 512>}, {transform_indices = @transform_2, window_bounds = array<i64: 3, 1000, 128>}, {pipeline_mode = #tpu.pipeline_mode<synchronous>, transform_indices = @transform_3, window_bounds = array<i64: 128, 128>}, {pipeline_mode = #tpu.pipeline_mode<synchronous>, transform_indices = @transform_4, window_bounds = array<i64: 128, 128>}, {pipeline_mode = #tpu.pipeline_mode<synchronous>, transform_indices = @transform_5, window_bounds = array<i64: 1, 128>}, {pipeline_mode = #tpu.pipeline_mode<synchronous>, transform_indices = @transform_6, window_bounds = array<i64: 128, 128>}, {pipeline_mode = #tpu.pipeline_mode<synchronous>, transform_indices = @transform_7, window_bounds = array<i64: 1, 128>}, {pipeline_mode = #tpu.pipeline_mode<synchronous>, transform_indices = @transform_8, window_bounds = array<i64: 128, 128>}, {pipeline_mode = #tpu.pipeline_mode<synchronous>, transform_indices = @transform_9, window_bounds = array<i64: 1, 128>}, {pipeline_mode = #tpu.pipeline_mode<synchronous>, transform_indices = @transform_10, window_bounds = array<i64: 1, 128>}, {pipeline_mode = #tpu.pipeline_mode<synchronous>, transform_indices = @transform_11, window_bounds = array<i64: 1, 128>}, {pipeline_mode = #tpu.pipeline_mode<synchronous>, transform_indices = @transform_12, window_bounds = array<i64: 1, 128>}, {transform_indices = @transform_13, window_bounds = array<i64: 1000, 128>}, {transform_indices = @transform_14, window_bounds = array<i64: 3, 1000, 128>}]} {
    %get3A = arith.constant 0 : index
    %get3A_0 = arith.constant 0 : index
    %get3A_1 = vector.load %arg1[%get3A, %get3A_0] : memref<1000x128xf32, #tpu.memory_space<vmem>>, vector<1000x128xf32>
    %get3A_2 = arith.constant 0 : index
    %get3A_3 = arith.constant 0 : index
    %get3A_4 = vector.load %arg2[%get3A_2, %get3A_3] : memref<1000x512xf32, #tpu.memory_space<vmem>>, vector<1000x512xf32>
    %get3A_5 = arith.constant 0 : index
    %get3A_6 = arith.constant 0 : index
    %get3A_7 = vector.load %arg4[%get3A_5, %get3A_6] : memref<128x128xf32, #tpu.memory_space<vmem>>, vector<128x128xf32>
    %dot_general3A = arith.constant dense<0.000000e+00> : vector<1000x128xf32>
    %dot_general3A_8 = tpu.matmul %get3A_1, %get3A_7, %dot_general3A {dimension_numbers = #tpu.dot_dimension_numbers<[1], [0], [0], [1], [0, 0, 1, 1], [], []>, transpose_lhs_hint = false} : vector<1000x128xf32>, vector<128x128xf32>, vector<1000x128xf32> -> vector<1000x128xf32>
    %slice3A = vector.extract_strided_slice %get3A_4 {offsets = [0, 0], sizes = [1000, 128], strides = [1, 1]} : vector<1000x512xf32> to vector<1000x128xf32>
    %get3A_9 = arith.constant 0 : index
    %get3A_10 = arith.constant 0 : index
    %get3A_11 = vector.load %arg5[%get3A_9, %get3A_10] : memref<128x128xf32, #tpu.memory_space<vmem>>, vector<128x128xf32>
    %dot_general3A_12 = arith.constant dense<0.000000e+00> : vector<1000x128xf32>
    %dot_general3A_13 = tpu.matmul %slice3A, %get3A_11, %dot_general3A_12 {dimension_numbers = #tpu.dot_dimension_numbers<[1], [0], [0], [1], [0, 0, 1, 1], [], []>, transpose_lhs_hint = false} : vector<1000x128xf32>, vector<128x128xf32>, vector<1000x128xf32> -> vector<1000x128xf32>
    %add3A = arith.addf %dot_general3A_8, %dot_general3A_13 : vector<1000x128xf32>
    %get3A_14 = arith.constant 0 : index
    %get3A_15 = arith.constant 0 : index
    %get3A_16 = vector.load %arg6[%get3A_14, %get3A_15] : memref<1x128xf32, #tpu.memory_space<vmem>>, vector<1x128xf32>
    %add3A_17 = vector.broadcast %get3A_16 : vector<1x128xf32> to vector<1000x128xf32>
    %add3A_18 = arith.addf %add3A, %add3A_17 : vector<1000x128xf32>
    %neg3A = arith.constant 0.000000e+00 : f32
    %neg3A_19 = vector.broadcast %neg3A : f32 to vector<1000x128xf32>
    %neg3A_20 = arith.subf %neg3A_19, %add3A_18 : vector<1000x128xf32>
    %exp3A = math.exp %neg3A_20 : vector<1000x128xf32>
    %add3A_21 = arith.constant 1.000000e+00 : f32
    %add3A_22 = vector.broadcast %add3A_21 : f32 to vector<1000x128xf32>
    %add3A_23 = arith.addf %add3A_22, %exp3A : vector<1000x128xf32>
    %div3A = arith.divf %add3A_18, %add3A_23 : vector<1000x128xf32>
    %get3A_24 = arith.constant 0 : index
    %get3A_25 = arith.constant 0 : index
    %get3A_26 = vector.load %arg7[%get3A_24, %get3A_25] : memref<128x128xf32, #tpu.memory_space<vmem>>, vector<128x128xf32>
    %dot_general3A_27 = arith.constant dense<0.000000e+00> : vector<1000x128xf32>
    %dot_general3A_28 = tpu.matmul %div3A, %get3A_26, %dot_general3A_27 {dimension_numbers = #tpu.dot_dimension_numbers<[1], [0], [0], [1], [0, 0, 1, 1], [], []>, transpose_lhs_hint = false} : vector<1000x128xf32>, vector<128x128xf32>, vector<1000x128xf32> -> vector<1000x128xf32>
    %add3A_29 = arith.addf %get3A_1, %dot_general3A_28 : vector<1000x128xf32>
    %get3A_30 = arith.constant 0 : index
    %get3A_31 = arith.constant 0 : index
    %get3A_32 = vector.load %arg8[%get3A_30, %get3A_31] : memref<1x128xf32, #tpu.memory_space<vmem>>, vector<1x128xf32>
    %add3A_33 = vector.broadcast %get3A_32 : vector<1x128xf32> to vector<1000x128xf32>
    %add3A_34 = arith.addf %add3A_29, %add3A_33 : vector<1000x128xf32>
    %get3A_35 = arith.constant 0 : index
    %get3A_36 = arith.constant 0 : index
    %get3A_37 = vector.load %arg10[%get3A_35, %get3A_36] : memref<1x128xf32, #tpu.memory_space<vmem>>, vector<1x128xf32>
    %get3A_38 = arith.constant 0 : index
    %get3A_39 = arith.constant 0 : index
    %get3A_40 = vector.load %arg11[%get3A_38, %get3A_39] : memref<1x128xf32, #tpu.memory_space<vmem>>, vector<1x128xf32>
    %reduce_sum3A = arith.constant dense<0.000000e+00> : vector<1000xf32>
    %reduce_sum3A_41 = vector.multi_reduction <add>, %add3A_34, %reduce_sum3A [1] : vector<1000x128xf32> to vector<1000xf32>
    %broadcast_in_dim3A = vector.shape_cast %reduce_sum3A_41 : vector<1000xf32> to vector<1000x1xf32>
    %div3A_42 = arith.constant 1.280000e+02 : f32
    %div3A_43 = vector.broadcast %div3A_42 : f32 to vector<1000x1xf32>
    %div3A_44 = arith.divf %broadcast_in_dim3A, %div3A_43 : vector<1000x1xf32>
    %sub3A = vector.broadcast %div3A_44 : vector<1000x1xf32> to vector<1000x128xf32>
    %sub3A_45 = arith.subf %add3A_34, %sub3A : vector<1000x128xf32>
    %integer_pow3A = arith.mulf %sub3A_45, %sub3A_45 : vector<1000x128xf32>
    %reduce_sum3A_46 = arith.constant dense<0.000000e+00> : vector<1000xf32>
    %reduce_sum3A_47 = vector.multi_reduction <add>, %integer_pow3A, %reduce_sum3A_46 [1] : vector<1000x128xf32> to vector<1000xf32>
    %broadcast_in_dim3A_48 = vector.shape_cast %reduce_sum3A_47 : vector<1000xf32> to vector<1000x1xf32>
    %div3A_49 = arith.constant 1.280000e+02 : f32
    %div3A_50 = vector.broadcast %div3A_49 : f32 to vector<1000x1xf32>
    %div3A_51 = arith.divf %broadcast_in_dim3A_48, %div3A_50 : vector<1000x1xf32>
    %sub3A_52 = vector.broadcast %div3A_44 : vector<1000x1xf32> to vector<1000x128xf32>
    %sub3A_53 = arith.subf %add3A_34, %sub3A_52 : vector<1000x128xf32>
    %add3A_54 = arith.constant 9.99999974E-6 : f32
    %add3A_55 = vector.broadcast %add3A_54 : f32 to vector<1000x1xf32>
    %add3A_56 = arith.addf %div3A_51, %add3A_55 : vector<1000x1xf32>
    %sqrt3A = math.sqrt %add3A_56 : vector<1000x1xf32>
    %div3A_57 = vector.broadcast %sqrt3A : vector<1000x1xf32> to vector<1000x128xf32>
    %div3A_58 = arith.divf %sub3A_53, %div3A_57 : vector<1000x128xf32>
    %mul3A = vector.broadcast %get3A_37 : vector<1x128xf32> to vector<1000x128xf32>
    %mul3A_59 = arith.mulf %div3A_58, %mul3A : vector<1000x128xf32>
    %add3A_60 = vector.broadcast %get3A_40 : vector<1x128xf32> to vector<1000x128xf32>
    %add3A_61 = arith.addf %mul3A_59, %add3A_60 : vector<1000x128xf32>
    %swap3A = arith.constant 0 : index
    %swap3A_62 = arith.constant 0 : index
    %swap3A_63 = vector.load %arg14[%swap3A, %swap3A_62] : memref<1000x128xf32, #tpu.memory_space<vmem>>, vector<1000x128xf32>
    tpu.vector_store %arg14[%swap3A, %swap3A_62], %add3A_61 {strides = array<i32>} : memref<1000x128xf32, #tpu.memory_space<vmem>>, vector<1000x128xf32>,
    %get3A_64 = arith.constant 0 : index
    %get3A_65 = arith.constant 0 : index
    %get3A_66 = vector.load %arg9[%get3A_64, %get3A_65] : memref<128x128xf32, #tpu.memory_space<vmem>>, vector<128x128xf32>
    %get3A_67 = arith.constant 0 : index
    %get3A_68 = arith.constant 0 : index
    %get3A_69 = arith.constant 0 : index
    %get3A_70 = vector.load %arg3[%get3A_67, %get3A_68, %get3A_69] : memref<3x1000x128xf32, #tpu.memory_space<vmem>>, vector<1x1000x128xf32>
    %get3A_71 = vector.shape_cast %get3A_70 : vector<1x1000x128xf32> to vector<1000x128xf32>
    %slice3A_72 = vector.extract_strided_slice %get3A_4 {offsets = [0, 128], sizes = [1000, 128], strides = [1, 1]} : vector<1000x512xf32> to vector<1000x128xf32>
    %dot_general3A_73 = arith.constant dense<0.000000e+00> : vector<1000x128xf32>
    %dot_general3A_74 = tpu.matmul %slice3A_72, %get3A_66, %dot_general3A_73 {dimension_numbers = #tpu.dot_dimension_numbers<[1], [0], [0], [1], [0, 0, 1, 1], [], []>, transpose_lhs_hint = false} : vector<1000x128xf32>, vector<128x128xf32>, vector<1000x128xf32> -> vector<1000x128xf32>
    %add3A_75 = arith.addf %get3A_71, %dot_general3A_74 : vector<1000x128xf32>
    %get3A_76 = arith.constant 0 : index
    %get3A_77 = arith.constant 0 : index
    %get3A_78 = vector.load %arg12[%get3A_76, %get3A_77] : memref<1x128xf32, #tpu.memory_space<vmem>>, vector<1x128xf32>
    %get3A_79 = arith.constant 0 : index
    %get3A_80 = arith.constant 0 : index
    %get3A_81 = vector.load %arg13[%get3A_79, %get3A_80] : memref<1x128xf32, #tpu.memory_space<vmem>>, vector<1x128xf32>
    %reduce_sum3A_82 = arith.constant dense<0.000000e+00> : vector<1000xf32>
    %reduce_sum3A_83 = vector.multi_reduction <add>, %add3A_75, %reduce_sum3A_82 [1] : vector<1000x128xf32> to vector<1000xf32>
    %broadcast_in_dim3A_84 = vector.shape_cast %reduce_sum3A_83 : vector<1000xf32> to vector<1000x1xf32>
    %div3A_85 = arith.constant 1.280000e+02 : f32
    %div3A_86 = vector.broadcast %div3A_85 : f32 to vector<1000x1xf32>
    %div3A_87 = arith.divf %broadcast_in_dim3A_84, %div3A_86 : vector<1000x1xf32>
    %sub3A_88 = vector.broadcast %div3A_87 : vector<1000x1xf32> to vector<1000x128xf32>
    %sub3A_89 = arith.subf %add3A_75, %sub3A_88 : vector<1000x128xf32>
    %integer_pow3A_90 = arith.mulf %sub3A_89, %sub3A_89 : vector<1000x128xf32>
    %reduce_sum3A_91 = arith.constant dense<0.000000e+00> : vector<1000xf32>
    %reduce_sum3A_92 = vector.multi_reduction <add>, %integer_pow3A_90, %reduce_sum3A_91 [1] : vector<1000x128xf32> to vector<1000xf32>
    %broadcast_in_dim3A_93 = vector.shape_cast %reduce_sum3A_92 : vector<1000xf32> to vector<1000x1xf32>
    %div3A_94 = arith.constant 1.280000e+02 : f32
    %div3A_95 = vector.broadcast %div3A_94 : f32 to vector<1000x1xf32>
    %div3A_96 = arith.divf %broadcast_in_dim3A_93, %div3A_95 : vector<1000x1xf32>
    %sub3A_97 = vector.broadcast %div3A_87 : vector<1000x1xf32> to vector<1000x128xf32>
    %sub3A_98 = arith.subf %add3A_75, %sub3A_97 : vector<1000x128xf32>
    %add3A_99 = arith.constant 9.99999974E-6 : f32
    %add3A_100 = vector.broadcast %add3A_99 : f32 to vector<1000x1xf32>
    %add3A_101 = arith.addf %div3A_96, %add3A_100 : vector<1000x1xf32>
    %sqrt3A_102 = math.sqrt %add3A_101 : vector<1000x1xf32>
    %div3A_103 = vector.broadcast %sqrt3A_102 : vector<1000x1xf32> to vector<1000x128xf32>
    %div3A_104 = arith.divf %sub3A_98, %div3A_103 : vector<1000x128xf32>
    %mul3A_105 = vector.broadcast %get3A_78 : vector<1x128xf32> to vector<1000x128xf32>
    %mul3A_106 = arith.mulf %div3A_104, %mul3A_105 : vector<1000x128xf32>
    %add3A_107 = vector.broadcast %get3A_81 : vector<1x128xf32> to vector<1000x128xf32>
    %add3A_108 = arith.addf %mul3A_106, %add3A_107 : vector<1000x128xf32>
    %get3A_109 = arith.constant 1 : index
    %get3A_110 = arith.constant 0 : index
    %get3A_111 = arith.constant 0 : index
    %get3A_112 = vector.load %arg3[%get3A_109, %get3A_110, %get3A_111] : memref<3x1000x128xf32, #tpu.memory_space<vmem>>, vector<1x1000x128xf32>
    %get3A_113 = vector.shape_cast %get3A_112 : vector<1x1000x128xf32> to vector<1000x128xf32>
    %slice3A_114 = vector.extract_strided_slice %get3A_4 {offsets = [0, 256], sizes = [1000, 128], strides = [1, 1]} : vector<1000x512xf32> to vector<1000x128xf32>
    %dot_general3A_115 = arith.constant dense<0.000000e+00> : vector<1000x128xf32>
    %dot_general3A_116 = tpu.matmul %slice3A_114, %get3A_66, %dot_general3A_115 {dimension_numbers = #tpu.dot_dimension_numbers<[1], [0], [0], [1], [0, 0, 1, 1], [], []>, transpose_lhs_hint = false} : vector<1000x128xf32>, vector<128x128xf32>, vector<1000x128xf32> -> vector<1000x128xf32>
    %add3A_117 = arith.addf %get3A_113, %dot_general3A_116 : vector<1000x128xf32>
    %get3A_118 = arith.constant 0 : index
    %get3A_119 = arith.constant 0 : index
    %get3A_120 = vector.load %arg12[%get3A_118, %get3A_119] : memref<1x128xf32, #tpu.memory_space<vmem>>, vector<1x128xf32>
    %get3A_121 = arith.constant 0 : index
    %get3A_122 = arith.constant 0 : index
    %get3A_123 = vector.load %arg13[%get3A_121, %get3A_122] : memref<1x128xf32, #tpu.memory_space<vmem>>, vector<1x128xf32>
    %reduce_sum3A_124 = arith.constant dense<0.000000e+00> : vector<1000xf32>
    %reduce_sum3A_125 = vector.multi_reduction <add>, %add3A_117, %reduce_sum3A_124 [1] : vector<1000x128xf32> to vector<1000xf32>
    %broadcast_in_dim3A_126 = vector.shape_cast %reduce_sum3A_125 : vector<1000xf32> to vector<1000x1xf32>
    %div3A_127 = arith.constant 1.280000e+02 : f32
    %div3A_128 = vector.broadcast %div3A_127 : f32 to vector<1000x1xf32>
    %div3A_129 = arith.divf %broadcast_in_dim3A_126, %div3A_128 : vector<1000x1xf32>
    %sub3A_130 = vector.broadcast %div3A_129 : vector<1000x1xf32> to vector<1000x128xf32>
    %sub3A_131 = arith.subf %add3A_117, %sub3A_130 : vector<1000x128xf32>
    %integer_pow3A_132 = arith.mulf %sub3A_131, %sub3A_131 : vector<1000x128xf32>
    %reduce_sum3A_133 = arith.constant dense<0.000000e+00> : vector<1000xf32>
    %reduce_sum3A_134 = vector.multi_reduction <add>, %integer_pow3A_132, %reduce_sum3A_133 [1] : vector<1000x128xf32> to vector<1000xf32>
    %broadcast_in_dim3A_135 = vector.shape_cast %reduce_sum3A_134 : vector<1000xf32> to vector<1000x1xf32>
    %div3A_136 = arith.constant 1.280000e+02 : f32
    %div3A_137 = vector.broadcast %div3A_136 : f32 to vector<1000x1xf32>
    %div3A_138 = arith.divf %broadcast_in_dim3A_135, %div3A_137 : vector<1000x1xf32>
    %sub3A_139 = vector.broadcast %div3A_129 : vector<1000x1xf32> to vector<1000x128xf32>
    %sub3A_140 = arith.subf %add3A_117, %sub3A_139 : vector<1000x128xf32>
    %add3A_141 = arith.constant 9.99999974E-6 : f32
    %add3A_142 = vector.broadcast %add3A_141 : f32 to vector<1000x1xf32>
    %add3A_143 = arith.addf %div3A_138, %add3A_142 : vector<1000x1xf32>
    %sqrt3A_144 = math.sqrt %add3A_143 : vector<1000x1xf32>
    %div3A_145 = vector.broadcast %sqrt3A_144 : vector<1000x1xf32> to vector<1000x128xf32>
    %div3A_146 = arith.divf %sub3A_140, %div3A_145 : vector<1000x128xf32>
    %mul3A_147 = vector.broadcast %get3A_120 : vector<1x128xf32> to vector<1000x128xf32>
    %mul3A_148 = arith.mulf %div3A_146, %mul3A_147 : vector<1000x128xf32>
    %add3A_149 = vector.broadcast %get3A_123 : vector<1x128xf32> to vector<1000x128xf32>
    %add3A_150 = arith.addf %mul3A_148, %add3A_149 : vector<1000x128xf32>
    %get3A_151 = arith.constant 2 : index
    %get3A_152 = arith.constant 0 : index
    %get3A_153 = arith.constant 0 : index
    %get3A_154 = vector.load %arg3[%get3A_151, %get3A_152, %get3A_153] : memref<3x1000x128xf32, #tpu.memory_space<vmem>>, vector<1x1000x128xf32>
    %get3A_155 = vector.shape_cast %get3A_154 : vector<1x1000x128xf32> to vector<1000x128xf32>
    %slice3A_156 = vector.extract_strided_slice %get3A_4 {offsets = [0, 384], sizes = [1000, 128], strides = [1, 1]} : vector<1000x512xf32> to vector<1000x128xf32>
    %dot_general3A_157 = arith.constant dense<0.000000e+00> : vector<1000x128xf32>
    %dot_general3A_158 = tpu.matmul %slice3A_156, %get3A_66, %dot_general3A_157 {dimension_numbers = #tpu.dot_dimension_numbers<[1], [0], [0], [1], [0, 0, 1, 1], [], []>, transpose_lhs_hint = false} : vector<1000x128xf32>, vector<128x128xf32>, vector<1000x128xf32> -> vector<1000x128xf32>
    %add3A_159 = arith.addf %get3A_155, %dot_general3A_158 : vector<1000x128xf32>
    %get3A_160 = arith.constant 0 : index
    %get3A_161 = arith.constant 0 : index
    %get3A_162 = vector.load %arg12[%get3A_160, %get3A_161] : memref<1x128xf32, #tpu.memory_space<vmem>>, vector<1x128xf32>
    %get3A_163 = arith.constant 0 : index
    %get3A_164 = arith.constant 0 : index
    %get3A_165 = vector.load %arg13[%get3A_163, %get3A_164] : memref<1x128xf32, #tpu.memory_space<vmem>>, vector<1x128xf32>
    %reduce_sum3A_166 = arith.constant dense<0.000000e+00> : vector<1000xf32>
    %reduce_sum3A_167 = vector.multi_reduction <add>, %add3A_159, %reduce_sum3A_166 [1] : vector<1000x128xf32> to vector<1000xf32>
    %broadcast_in_dim3A_168 = vector.shape_cast %reduce_sum3A_167 : vector<1000xf32> to vector<1000x1xf32>
    %div3A_169 = arith.constant 1.280000e+02 : f32
    %div3A_170 = vector.broadcast %div3A_169 : f32 to vector<1000x1xf32>
    %div3A_171 = arith.divf %broadcast_in_dim3A_168, %div3A_170 : vector<1000x1xf32>
    %sub3A_172 = vector.broadcast %div3A_171 : vector<1000x1xf32> to vector<1000x128xf32>
    %sub3A_173 = arith.subf %add3A_159, %sub3A_172 : vector<1000x128xf32>
    %integer_pow3A_174 = arith.mulf %sub3A_173, %sub3A_173 : vector<1000x128xf32>
    %reduce_sum3A_175 = arith.constant dense<0.000000e+00> : vector<1000xf32>
    %reduce_sum3A_176 = vector.multi_reduction <add>, %integer_pow3A_174, %reduce_sum3A_175 [1] : vector<1000x128xf32> to vector<1000xf32>
    %broadcast_in_dim3A_177 = vector.shape_cast %reduce_sum3A_176 : vector<1000xf32> to vector<1000x1xf32>
    %div3A_178 = arith.constant 1.280000e+02 : f32
    %div3A_179 = vector.broadcast %div3A_178 : f32 to vector<1000x1xf32>
    %div3A_180 = arith.divf %broadcast_in_dim3A_177, %div3A_179 : vector<1000x1xf32>
    %sub3A_181 = vector.broadcast %div3A_171 : vector<1000x1xf32> to vector<1000x128xf32>
    %sub3A_182 = arith.subf %add3A_159, %sub3A_181 : vector<1000x128xf32>
    %add3A_183 = arith.constant 9.99999974E-6 : f32
    %add3A_184 = vector.broadcast %add3A_183 : f32 to vector<1000x1xf32>
    %add3A_185 = arith.addf %div3A_180, %add3A_184 : vector<1000x1xf32>
    %sqrt3A_186 = math.sqrt %add3A_185 : vector<1000x1xf32>
    %div3A_187 = vector.broadcast %sqrt3A_186 : vector<1000x1xf32> to vector<1000x128xf32>
    %div3A_188 = arith.divf %sub3A_182, %div3A_187 : vector<1000x128xf32>
    %mul3A_189 = vector.broadcast %get3A_162 : vector<1x128xf32> to vector<1000x128xf32>
    %mul3A_190 = arith.mulf %div3A_188, %mul3A_189 : vector<1000x128xf32>
    %add3A_191 = vector.broadcast %get3A_165 : vector<1x128xf32> to vector<1000x128xf32>
    %add3A_192 = arith.addf %mul3A_190, %add3A_191 : vector<1000x128xf32>
    %stack3A = vector.shape_cast %add3A_108 : vector<1000x128xf32> to vector<1x1000x128xf32>
    %stack3A_193 = vector.shape_cast %add3A_150 : vector<1000x128xf32> to vector<1x1000x128xf32>
    %stack3A_194 = vector.shape_cast %add3A_192 : vector<1000x128xf32> to vector<1x1000x128xf32>
    %stack3A_195 = tpu.concatenate %stack3A, %stack3A_193, %stack3A_194 in 0 : vector<1x1000x128xf32>, vector<1x1000x128xf32>, vector<1x1000x128xf32> -> vector<3x1000x128xf32>
    %swap3A_196 = arith.constant 0 : index
    %swap3A_197 = arith.constant 0 : index
    %swap3A_198 = arith.constant 0 : index
    %swap3A_199 = vector.load %arg15[%swap3A_196, %swap3A_197, %swap3A_198] : memref<3x1000x128xf32, #tpu.memory_space<vmem>>, vector<3x1000x128xf32>
    tpu.vector_store %arg15[%swap3A_196, %swap3A_197, %swap3A_198], %stack3A_195 {strides = array<i32>} : memref<3x1000x128xf32, #tpu.memory_space<vmem>>, vector<3x1000x128xf32>,
    return
  }
  func.func @transform_0(%arg0: i32) -> (i32, i32) {
    %c0_i32 = arith.constant 0 : i32
    %c0_i32_0 = arith.constant 0 : i32
    return %arg0, %c0_i32 : i32, i32
  }
  func.func @transform_1(%arg0: i32) -> (i32, i32) {
    %c0_i32 = arith.constant 0 : i32
    %c0_i32_0 = arith.constant 0 : i32
    return %arg0, %c0_i32 : i32, i32
  }
  func.func @transform_2(%arg0: i32) -> (i32, i32, i32) {
    %c0_i32 = arith.constant 0 : i32
    %c0_i32_0 = arith.constant 0 : i32
    %c0_i32_1 = arith.constant 0 : i32
    return %c0_i32, %arg0, %c0_i32_0 : i32, i32, i32
  }
  func.func @transform_3(%arg0: i32) -> (i32, i32) {
    %c0_i32 = arith.constant 0 : i32
    %c0_i32_0 = arith.constant 0 : i32
    %c0_i32_1 = arith.constant 0 : i32
    return %c0_i32, %c0_i32_0 : i32, i32
  }
  func.func @transform_4(%arg0: i32) -> (i32, i32) {
    %c0_i32 = arith.constant 0 : i32
    %c0_i32_0 = arith.constant 0 : i32
    %c0_i32_1 = arith.constant 0 : i32
    return %c0_i32, %c0_i32_0 : i32, i32
  }
  func.func @transform_5(%arg0: i32) -> (i32, i32) {
    %c0_i32 = arith.constant 0 : i32
    %c0_i32_0 = arith.constant 0 : i32
    %c0_i32_1 = arith.constant 0 : i32
    return %c0_i32, %c0_i32_0 : i32, i32
  }
  func.func @transform_6(%arg0: i32) -> (i32, i32) {
    %c0_i32 = arith.constant 0 : i32
    %c0_i32_0 = arith.constant 0 : i32
    %c0_i32_1 = arith.constant 0 : i32
    return %c0_i32, %c0_i32_0 : i32, i32
  }
  func.func @transform_7(%arg0: i32) -> (i32, i32) {
    %c0_i32 = arith.constant 0 : i32
    %c0_i32_0 = arith.constant 0 : i32
    %c0_i32_1 = arith.constant 0 : i32
    return %c0_i32, %c0_i32_0 : i32, i32
  }
  func.func @transform_8(%arg0: i32) -> (i32, i32) {
    %c0_i32 = arith.constant 0 : i32
    %c0_i32_0 = arith.constant 0 : i32
    %c0_i32_1 = arith.constant 0 : i32
    return %c0_i32, %c0_i32_0 : i32, i32
  }
  func.func @transform_9(%arg0: i32) -> (i32, i32) {
    %c0_i32 = arith.constant 0 : i32
    %c0_i32_0 = arith.constant 0 : i32
    %c0_i32_1 = arith.constant 0 : i32
    return %c0_i32, %c0_i32_0 : i32, i32
  }
  func.func @transform_10(%arg0: i32) -> (i32, i32) {
    %c0_i32 = arith.constant 0 : i32
    %c0_i32_0 = arith.constant 0 : i32
    %c0_i32_1 = arith.constant 0 : i32
    return %c0_i32, %c0_i32_0 : i32, i32
  }
  func.func @transform_11(%arg0: i32) -> (i32, i32) {
    %c0_i32 = arith.constant 0 : i32
    %c0_i32_0 = arith.constant 0 : i32
    %c0_i32_1 = arith.constant 0 : i32
    return %c0_i32, %c0_i32_0 : i32, i32
  }
  func.func @transform_12(%arg0: i32) -> (i32, i32) {
    %c0_i32 = arith.constant 0 : i32
    %c0_i32_0 = arith.constant 0 : i32
    %c0_i32_1 = arith.constant 0 : i32
    return %c0_i32, %c0_i32_0 : i32, i32
  }
  func.func @transform_13(%arg0: i32) -> (i32, i32) {
    %c0_i32 = arith.constant 0 : i32
    %c0_i32_0 = arith.constant 0 : i32
    return %arg0, %c0_i32 : i32, i32
  }
  func.func @transform_14(%arg0: i32) -> (i32, i32, i32) {
    %c0_i32 = arith.constant 0 : i32
    %c0_i32_0 = arith.constant 0 : i32
    %c0_i32_1 = arith.constant 0 : i32
    return %c0_i32, %arg0, %c0_i32_0 : i32, i32, i32
  }
}

</mosaic_0001>

<sc_bundles>
// kernel: kernel.10.cloned.1.call-start
scs
__scs_entry_jumppad:
0x0: {  	(pc) =	sbr.rel $0x88, $3  }
0x1: {  	(tag) =	ssettag $0x0;
	lr =	simm.s32 $0x1  }
0x2: {  	[smem:$0x3F86] =	sst lr;
	_ =	strace $0xD0000000  }
0x3: {  	_ = 	snop  }
0x4: {  	_ = 	snop  }
0x5: {  	_ = 	snop  }
0x6: {  	_ = 	snop  }
0x7: {  	_ = 	snop  }
__scs_overlays_trampoline_lowered:
0x8: {  	[smem:$0x3F95] =	sst s0  }
0x9: {  	[smem:$0x3F96] =	sst s1  }
0xa: {  	[smem:$0x3F97] =	sst s2  }
0xb: {  	[smem:$0x3F98] =	sst s3  }
0xc: {  	[smem:$0x3F99] =	sst s4  }
0xd: {  	[smem:$0x3F9A] =	sst s5  }
0xe: {  	[smem:$0x3F9B] =	sst s6  }
0xf: {  	[smem:$0x3F9C] =	sst s7  }
0x10: {  	[smem:$0x3F9D] =	sst s8  }
0x11: {  	[smem:$0x3F9E] =	sst s9;
	s0 =	simm.s32 @!p0 $0x0  }
0x12: {  	s1 =	sld [smem:$0x3F84];
	s0 =	simm.s32 @p0 $0x1  }
0x13: {  	[smem:$0x3F9F] =	sst s0;
	s0 =	simm.s32 @!p1 $0x0  }
0x14: {  	s2 =	sld [smem:$0x3F83];
	s0 =	simm.s32 @p1 $0x1  }
0x15: {  	[smem:$0x3FA0] =	sst s0;
	s0 =	simm.s32 @!p2 $0x0  }
0x16: {  	s3 =	sld [smem:$0x3FDB];
	s0 =	simm.s32 @p2 $0x1  }
0x17: {  	s4 =	simm.s32 $0x1BF5;
	[smem:$0x3FA2] =	sst s0  }
0x18: {  	s0 =	sld [smem:$0x3F85];
	_ =	swait.ge [sflag:s4], $0x0  }
0x19: {  	s7 =	sld [smem:$0x3F86]  }
0x1a: {  	s8 =	sadd.s32 $0xFFFFE003, lr  }
0x1b: {  	s9 =	sadd.s32 $0xFFFFFEF7, lr;
	s5 =	simm.s32 $0xFFFFFFFF;
	p2 =	slt.u32 s8, $0xFFFFF086  }
0x1c: {  	p1 =	slt.u32 s9, $0xF7A;
	s5 =	simm.s32 @!p2 $0x0  }
0x1d: {  	s5 =	simm.s32 @p1 $0x1;
	p0 =	seq.s32 s7, s2  }
0x1e: {  	s7 =	smul.u32 @!p0 $0xF7A, s2;
	p2 =	seq.s32 @!p0 s5, $0x0  }
0x1f: {  	s9 =	smul.u32 $0xF7A, s1;
	s8 =	simm.s32 @!p0 $0x1BF5;
	p2 =	por !p2, p0  }
0x20: {  	[sflag:s8] =	ssyncset.s32 @!p0 $0xFFFFF086;
	s6 =	sadd.s32 @!p0 s3, s7;
	s7 =	simm.s32 @!p0 $0x108  }
0x21: {  	s3 =	sadd.s32 s3, s9;
	s6 =	sadd.s32 @!p0 $0x88, s6;
	s7 =	simm.s32 @p2 $0x1082  }
0x22: {  	[simem:s7], [sflag:s8] =	dma.local @!p0 [hbm:s6], $0xF7A  }
0x23: {  	s9 =	sor.u32 $0xD0000000, s2;
	s6 =	simm.s32 $0x108;
	_ =	swait.ge @!p0 [sflag:s8], $0x0  }
0x24: {  	s3 =	sadd.s32 $0x88, s3;
	s6 =	simm.s32 @!p1 $0x1082;
	[sflag:s4] =	ssyncset.s32 $0xFFFFF086  }
0x25: {  	[simem:s6], [sflag:s4] =	dma.local [hbm:s3], $0xF7A  }
0x26: {  	[smem:$0x3F86] =	sst s1;
	(tag) =	ssettag s2;
	_ =	strace s9  }
0x27: {  	s1 =	sld [smem:$0x3F96]  }
0x28: {  	s2 =	sld [smem:$0x3F97]  }
0x29: {  	s4 =	sld [smem:$0x3F99]  }
0x2a: {  	p0 =	seq.s32 s5, $0x0;
	s5 =	sld [smem:$0x3F9A]  }
0x2b: {  	s6 =	sld [smem:$0x3F9B]  }
0x2c: {  	s7 =	sld [smem:$0x3F9C]  }
0x2d: {  	s3 =	simm.s32 $0x108;
	s8 =	sld [smem:$0x3F9D]  }
0x2e: {  	s3 =	simm.s32 @!p0 $0x1082;
	s9 =	sld [smem:$0x3F9E]  }
0x2f: {  	lr =	sadd.s32 s0, s3;
	s0 =	sld [smem:$0x3F95]  }
0x30: {  	s3 =	sld [smem:$0x3F98]  }
0x31: {  	[smem:$0x3FA1] =	sst s10  }
0x32: {  	s10 =	sld [smem:$0x3F9F];
	_ =	sdelay $0x3  }
0x33: {  	p0 =	seq.s32 s10, $0x1;
	s10 =	sld [smem:$0x3FA1];
	_ =	sdelay $0x3  }
0x34: {  	[smem:$0x3FA1] =	sst s10  }
0x35: {  	s10 =	sld [smem:$0x3FA0];
	_ =	sdelay $0x3  }
0x36: {  	p1 =	seq.s32 s10, $0x1;
	s10 =	sld [smem:$0x3FA1];
	_ =	sdelay $0x3  }
0x37: {  	[smem:$0x3FA1] =	sst s10  }
0x38: {  	s10 =	sld [smem:$0x3FA2]  }
0x39: {  	_ = 	snop;
	(pc) =	sbr.ind lr, $3  }
0x3a: {  	_ = 	snop  }
0x3b: {  	_ = 	snop  }
0x3c: {  	p2 =	seq.s32 s10, $0x1;
	s10 =	sld [smem:$0x3FA1]  }
0x3d: {  	_ =	shalt  }
0x3e: {  	_ =	shalt  }
0x3f: {  	_ =	shalt  }
0x40: {  	_ =	shalt  }
0x41: {  	_ =	shalt  }
0x42: {  	_ =	shalt  }
0x43: {  	_ =	shalt  }
0x44: {  	_ =	shalt  }
0x45: {  	_ =	shalt  }
0x46: {  	_ =	shalt  }
0x47: {  	_ =	shalt  }
0x48: {  	_ =	shalt  }
0x49: {  	_ =	shalt  }
0x4a: {  	_ =	shalt  }
0x4b: {  	_ =	shalt  }
0x4c: {  	_ =	shalt  }
0x4d: {  	_ =	shalt  }
0x4e: {  	_ =	shalt  }
0x4f: {  	_ =	shalt  }
0x50: {  	_ =	shalt  }
0x51: {  	_ =	shalt  }
0x52: {  	_ =	shalt  }
0x53: {  	_ =	shalt  }
0x54: {  	_ =	shalt  }
0x55: {  	_ =	shalt  }
0x56: {  	_ =	shalt  }
0x57: {  	_ =	shalt  }
0x58: {  	_ =	shalt  }
0x59: {  	_ =	shalt  }
0x5a: {  	_ =	shalt  }
0x5b: {  	_ =	shalt  }
0x5c: {  	_ =	shalt  }
0x5d: {  	_ =	shalt  }
0x5e: {  	_ =	shalt  }
0x5f: {  	_ =	shalt  }
0x60: {  	_ =	shalt  }
0x61: {  	_ =	shalt  }
0x62: {  	_ =	shalt  }
0x63: {  	_ =	shalt  }
0x64: {  	_ =	shalt  }
0x65: {  	_ =	shalt  }
0x66: {  	_ =	shalt  }
0x67: {  	_ =	shalt  }
0x68: {  	_ =	shalt  }
0x69: {  	_ =	shalt  }
0x6a: {  	_ =	shalt  }
0x6b: {  	_ =	shalt  }
0x6c: {  	_ =	shalt  }
0x6d: {  	_ =	shalt  }
0x6e: {  	_ =	shalt  }
0x6f: {  	_ =	shalt  }
0x70: {  	_ =	shalt  }
0x71: {  	_ =	shalt  }
0x72: {  	_ =	shalt  }
0x73: {  	_ =	shalt  }
0x74: {  	_ =	shalt  }
0x75: {  	_ =	shalt  }
0x76: {  	_ =	shalt  }
0x77: {  	_ =	shalt  }
0x78: {  	_ =	shalt  }
0x79: {  	_ =	shalt  }
0x7a: {  	_ =	shalt  }
0x7b: {  	_ =	shalt  }
0x7c: {  	_ =	shalt  }
0x7d: {  	_ =	shalt  }
0x7e: {  	_ =	shalt  }
0x7f: {  	_ =	shalt  }
0x80: {  	_ =	shalt  }
0x81: {  	_ =	shalt  }
0x82: {  	_ =	shalt  }
0x83: {  	_ =	shalt  }
0x84: {  	_ =	shalt  }
0x85: {  	_ =	shalt  }
0x86: {  	_ =	shalt  }
0x87: {  	_ =	shalt  }
.Lfunc_end0:
.L_simem_size_0:
called_computation.1_lowered:
.L_overlay_start_0:
0x88: {  	s2 =	sld [smem:$0x3FD9]  }
0x89: {  	s3 =	sld [smem:$0x3FFE];
	_ =	sdelay $0x1  }
0x8a: {  	s1 =	srdreg.scid  }
0x8b: {  	s0 =	sand.u32 $0x1, s1  }
0x8c: {  	s14 =	sshll.u32 s0, $0xA;
	s2 =	sadd.s32 s3, s2  }
0x8d: {  	s2 =	sadd.s32 s2, s14  }
0x8e: {  	[smem:$0x3FAD] =	sst s2  }
0x8f: {  	_ = 	snop  }
0x90: {  	s2 =	sld [smem:$0x3FD0];
	_ =	sdelay $0x2  }
0x91: {  	s15 =	simm.s32 $0xA;
	s4 =	simm.s32 $0x10  }
0x92: {  	[smem:s4], [sflag:s15] =	dma.local [hbm:s2], $0x1  }
0x93: {  	_ =	swait.eq [sflag:s15], $0x1  }
0x94: {  	[sflag:s15] =	ssyncset.done $0x0  }
0x95: {  	[sflag:s15] =	ssyncadd.s32 $0xFFFFFFFF  }
0x96: {  	s16 =	sld [smem:$0x10];
	(tm) =	ssettm $0x1  }
0x97: {  	s17 =	sld [smem:$0x3FFB];
	_ =	sdelay $0x3  }
0x98: {  	_ =	strace s17  }
0x99: {  	s3 =	sld [smem:$0x3FFC];
	_ =	sdelay $0x3  }
0x9a: {  	_ =	strace s3  }
0x9b: {  	s3 =	sld [smem:$0x3FFD];
	_ =	sdelay $0x3  }
0x9c: {  	_ =	strace s3  }
0x9d: {  	_ =	strace $0x8FFFFFFF  }
0x9e: {  	s18 =	sld [smem:$0x3FDB];
	_ =	sdelay $0x1  }
0x9f: {  	s19 =	simm.s32 $_scs_section_size  }
0xa0: {  	s5 =	simm.s32 $_size__tile_overlayer_lowered;
	s6 =	simm.s32 $_tile_overlayer_lowered  }
0xa1: {  	s22 =	simm.s32 $0x1BFF;
	s21 =	sshll.u32 s6, $0x1;
	s3 =	sadd.s32 s19, s18  }
0xa2: {  	s7 =	simm.s32 $0x0;
	s20 =	sshll.u32 s5, $0x1;
	s5 =	sadd.s32 s21, s3  }
0xa3: {  	[timem:s7], [sflag:s22] =	dma.local [hbm:s5], s20  }
0xa4: {  	_ =	swait.ge [sflag:s22], s20  }
0xa5: {  	s4 =	ssub.s32 $0x0, s20;
	[sflag:s22] =	ssyncset.done $0x0  }
0xa6: {  	[sflag:s22] =	ssyncadd.s32 s4;
	_ =	sdelay $0x1  }
0xa7: {  	s23 =	simm.s32 $0x1B8B  }
0xa8: {  	_ =	swait.ge [sflag:s23], $0x1  }
0xa9: {  	[sflag:s23] =	ssyncset.done $0x0  }
0xaa: {  	s25 =	simm.s32 $0x1B8E;
	s24 =	sld [smem:$0x3FFE];
	[sflag:s23] =	ssyncadd.s32 $0xFFFFFFFF  }
0xab: {  	s26 =	simm.s32 $execute0_lowered;
	[smem:$0x3FD2] =	sst s25  }
0xac: {  	s5 =	sshll.u32 s26, $0x1;
	_ =	strace $0x80000049;
	[dreg:$0x1] =	wrdreg $0xFFFFFFFF  }
0xad: {  	s28 =	simm.s32 $_size_execute0_lowered;
	s3 =	sadd.s32 s3, s5;
	[dreg:$0x0] =	wrdreg $0x0  }
0xae: {  	s5 =	sshll.u32 s28, $0x1;
	[dreg:$0x2] =	wrdreg s3  }
0xaf: {  	[dreg:$0x3] =	wrdreg s5  }
0xb0: {  	[dreg:$0x4] =	wrdreg $0xC0  }
0xb1: {  	_ =	task [dreg:s7], $0x5FFFF  }
0xb2: {  	[dreg:$0x1] =	wrdreg $0xFFFFFFFF  }
0xb3: {  	[dreg:$0x0] =	wrdreg $0x60  }
0xb4: {  	[dreg:$0x2] =	wrdreg s24  }
0xb5: {  	[dreg:$0x3] =	wrdreg s16  }
0xb6: {  	[dreg:$0x4] =	wrdreg $0x68000  }
0xb7: {  	[dreg:$0x5] =	wrdreg $0x9  }
0xb8: {  	_ =	task.clear_ibuf [dreg:s7], $0x6FFFF;
	_ =	strace $0x90000049  }
0xb9: {  	s29 =	simm.s32 $0x9;
	_ =	strace $0x8000004B  }
0xba: {  	_ =	swait.ge [sflag:s29], $0x1  }
0xbb: {  	[sflag:s29] =	ssyncadd.s32 $0xFFFFFFFF  }
0xbc: {  	_ =	strace $0x9000004B  }
0xbd: {  	_ =	sfence  }
0xbe: {  	s30 =	sld [smem:$0x0];
	_ =	sdelay $0x2  }
0xbf: {  	s31 =	sshll.u32 s1, $0xD;
	s1 =	sshrl.u32 s1, $0x2  }
0xc0: {  	s3 =	sand.u32 $0x4000, s31;
	s1 =	sadd.s32 s1, s30  }
0xc1: {  	s0 =	sor.u32 s3, s0;
	s1 =	sshll.u32 s1, $0x11  }
0xc2: {  	s0 =	sor.u32 s1, s0  }
0xc3: {  	s0 =	sadd.s32 $0x8F2B, s0  }
0xc4: {  	[sflag:s0] =	ssyncadd.remote.s32 $0x1  }
0xc5: {  	_ =	sfence.sel $0xFFFF  }
0xc6: {  	[dreg:$0x0] =	wrdreg $0xFFFFFFFF;
	(pc) =	sbr.abs _section_cstart, $3  }
0xc7: {  	[dreg:$0x1] =	wrdreg $0xFFFFFFFF  }
0xc8: {  	_ =	task.clear_ibuf [dreg:s7], $0x2FFFF;
	_ =	strace $0x9FFFFFFF  }
0xc9: {  	(tm) =	ssettm $0x7FFFFFFF  }
tec
execute0_lowered:
.L_overlay_start_1:
0x0: {  	(tag) =	ssettag $0x1  }
0x1: {  	s4 =	rddreg [dreg:$0x0]  }
0x2: {  	s5 =	rddreg [dreg:$0x1]  }
0x3: {  	s2 =	rddreg [dreg:$0x2];
	s1 =	stileid.u32  }
0x4: {  	s3 =	simm.s32 $0x0;
	s7 =	srdreg.scid;
	s19 =	simm.s32 $0x2800  }
0x5: {  	s20 =	simm.s32 $0x400;
	s21 =	simm.s32 $0x1000;
	s22 =	simm.s32 $0x80  }
0x6: {  	s23 =	simm.s32 $0x8;
	s24 =	simm.s32 $0x200;
	s6 =	smul.u32 $0xA0000, s1  }
0x7: {  	s25 =	simm.s32 $0x0;
	[smem:$0x7FF] =	sst s3;
	s12 =	smul.u32 $0x4E000, s1  }
0x8: {  	s11 =	sand.u32 $0x1, s7;
	s8 =	smul.u32 $0x500, s1;
	s13 =	sadd.s32 $0x4200, s4  }
0x9: {  	s10 =	sadd.s32 $0x138000, s2;
	p0 =	sne.s32 s1, $0xF;
	_ =	strace $0x8000004A  }
0xa: {  	s26 =	ssub.s32 $0x2, s11;
	s14 =	sshll.u32 s11, $0xB;
	s17 =	sshll.u32 s11, $0x8  }
0xb: {  	s15 =	sadd.s32 s6, s4;
	s28 =	sshrl.u32 s26, $0x1;
	s9 =	sshrl.u32 s12, $0x2  }
0xc: {  	s5 =	sadd.s32 s5, s8;
	s29 =	sor.u32 s14, s12;
	s30 =	sadd.s32 s17, s13  }
0xd: {  	s18 =	sshrl.u32 s12, $0x3;
	s16 =	ssub.s32 s26, s28;
	s4 =	sadd.s32 s9, s2  }
0xe: {  	s11 =	sshrl.u32 s29, $0x3;
	s12 =	sadd.s32 $0x9C000, s30;
	s31 =	sadd.s32 s18, s30  }
0xf: {  	s14 =	sadd.s32 $0x9C080, s30;
	s17 =	sadd.s32 s17, s15;
	s18 =	simm.s32 $0x1  }
0x10: {  	s6 =	sadd.s32 $0x4000, s4;
	s7 =	sadd.s32 $0x8000, s4;
	s8 =	sadd.s32 $0xC000, s4  }
0x11: {  	s9 =	sadd.s32 $0x10000, s4;
	s11 =	sadd.s32 s13, s11;
	s13 =	sadd.s32 $0x80, s31  }
0x12: {  	v0 =	vimm.f32 $0.0e+00;
	s15 =	smax.u32 s16, $0x1;
	s16 =	sadd.s32 $0x13FA200, s17;
	s17 =	sadd.s32 $0x13FA280, s17  }
.LBB2_1:
0x13: {  	[tilespmem:s3], [sflag:$0x1] =	stream.linear.gather [hbm4b:s5+s3], $0x2800, $0x38;
	[tilespmem:$0x1A080] =	vst v63  }
0x14: {  	_ =	swait.ge [sflag:s18], $0x2800  }
0x15: {  	[sflag:s18] =	ssyncset.done $0x0  }
0x16: {  	s26 =	simm.s32 $0x0;
	s28 =	simm.s32 $0x200;
	[sflag:s18] =	ssyncadd.s32 $0xFFFFD800  }
.LBB2_2:
0x17: {  	p1 =	sne.s32 s28, $0xFE00;
	[tilespmem:s26+$0x2870] =	vst v0  }
0x18: {  	[tilespmem:s26+$0x2800] =	vst v0  }
0x19: {  	[tilespmem:s26+$0x2810] =	vst v0  }
.Ltmp0:
0x1a: {  	[tilespmem:s26+$0x2820] =	vst v0;
	(pc) =	sbr.rel @p1 .LBB2_2-.Ltmp0, $4  }
0x1b: {  	[tilespmem:s26+$0x2830] =	vst v0  }
0x1c: {  	[tilespmem:s26+$0x2840] =	vst v0  }
0x1d: {  	[tilespmem:s26+$0x2850] =	vst v0  }
0x1e: {  	[tilespmem:s26+$0x2860] =	vst v0;
	s26 =	sshra.s32 s28, $0x2;
	s28 =	sadd.s32 $0x200, s28  }
0x1f: {  	[tilespmem:s26+$0x2870] =	vst v0  }
0x20: {  	[tilespmem:s26+$0x2800] =	vst v0  }
0x21: {  	[tilespmem:s26+$0x2810] =	vst v0  }
0x22: {  	[tilespmem:s26+$0x2820] =	vst v0  }
0x23: {  	[tilespmem:s26+$0x2830] =	vst v0  }
0x24: {  	[tilespmem:s26+$0x2840] =	vst v0  }
0x25: {  	[tilespmem:s26+$0x2850] =	vst v0  }
0x26: {  	[tilespmem:s26+$0x2860] =	vst v0  }
0x27: {  	[spmem:s4] =	stream.linear.scatter [tilespmem:s19], [sflag:$0x1], $0x4000, $0x38;
	[tilespmem:$0x1A080] =	vst v63  }
0x28: {  	_ =	swait.ge [sflag:s18], $0x4000  }
0x29: {  	[sflag:s18] =	ssyncset.done $0x0  }
0x2a: {  	[sflag:s18] =	ssyncadd.s32 $0xFFFFC000  }
0x2b: {  	[spmem:s6] =	stream.linear.scatter [tilespmem:s19], [sflag:$0x1], $0x4000, $0x38;
	[tilespmem:$0x1A080] =	vst v63  }
0x2c: {  	_ =	swait.ge [sflag:s18], $0x4000  }
0x2d: {  	[sflag:s18] =	ssyncset.done $0x0  }
0x2e: {  	[sflag:s18] =	ssyncadd.s32 $0xFFFFC000  }
0x2f: {  	[spmem:s7] =	stream.linear.scatter [tilespmem:s19], [sflag:$0x1], $0x4000, $0x38;
	[tilespmem:$0x1A080] =	vst v63  }
0x30: {  	_ =	swait.ge [sflag:s18], $0x4000  }
0x31: {  	[sflag:s18] =	ssyncset.done $0x0  }
0x32: {  	[sflag:s18] =	ssyncadd.s32 $0xFFFFC000  }
0x33: {  	[spmem:s8] =	stream.linear.scatter [tilespmem:s19], [sflag:$0x1], $0x4000, $0x38;
	[tilespmem:$0x1A080] =	vst v63  }
0x34: {  	_ =	swait.ge [sflag:s18], $0x4000  }
0x35: {  	[sflag:s18] =	ssyncset.done $0x0  }
0x36: {  	[sflag:s18] =	ssyncadd.s32 $0xFFFFC000  }
0x37: {  	[spmem:s9] =	stream.linear.scatter [tilespmem:s19], [sflag:$0x1], $0x3800, $0x38;
	[tilespmem:$0x1A080] =	vst v63  }
0x38: {  	_ =	swait.ge [sflag:s18], $0x3800  }
0x39: {  	[sflag:s18] =	ssyncset.done $0x0  }
0x3a: {  	s26 =	simm.s32 @!p0 $0x2800;
	[sflag:s18] =	ssyncadd.s32 $0xFFFFC800  }
0x3b: {  	[spmem:s10] =	stream.linear.scatter @!p0 [tilespmem:s26], [sflag:$0x1], $0x800, $0x38;
	[tilespmem:$0x1A080] =	vst v63  }
0x3c: {  	s26 =	simm.s32 @!p0 $0x1  }
0x3d: {  	_ =	swait.ge @!p0 [sflag:s26], $0x800  }
0x3e: {  	[sflag:s26] =	ssyncset.done @!p0 $0x0  }
0x3f: {  	[sflag:s26] =	ssyncadd.s32 @!p0 $0xFFFFF800  }
0x40: {  	[bflag:$0x0] =	sbarrier.arrive $0xFFFF  }
0x41: {  	[tilespmem:s19], [sflag:$0x1] =	stream.strided.gather [hbm4b:s16+s20], $0x4000, s21, s20, $0x38;
	[tilespmem:$0x1A080] =	vst v63  }
0x42: {  	_ =	swait.ge [sflag:s18], $0x4000  }
0x43: {  	[sflag:s18] =	ssyncset.done $0x0  }
0x44: {  	s31 =	simm.s32 $0x0;
	[sflag:s18] =	ssyncadd.s32 $0xFFFFC000  }
0x45: {  	[spmem:s2] =	stream.indirect.scatter.add.f32 [tilespmem:s19], [sflag:$0x1], $0x80, s31, s22, $0xb8;
	[tilespmem:$0x1A080] =	vst v63  }
0x46: {  	_ =	swait.ge [sflag:s18], $0x4000  }
0x47: {  	s28 =	smov.u32 s16;
	s26 =	simm.s32 $0x200;
	[sflag:s18] =	ssyncset.done $0x0  }
.LBB2_4:
0x48: {  	p1 =	sne.s32 s26, $0x9E00;
	[sflag:s18] =	ssyncadd.s32 $0xFFFFC000;
	s28 =	sadd.s32 $0x2000, s28  }
0x49: {  	[tilespmem:s19], [sflag:$0x1] =	stream.strided.gather [hbm4b:s28+s20], $0x4000, s21, s20, $0x38;
	[tilespmem:$0x1A080] =	vst v63  }
0x4a: {  	s29 =	smov.u32 s26;
	s26 =	sadd.s32 $0x200, s26;
	_ =	swait.ge [sflag:s18], $0x4000  }
.Ltmp1:
0x4b: {  	[sflag:s18] =	ssyncset.done $0x0;
	(pc) =	sbr.rel @p1 .LBB2_4-.Ltmp1, $4  }
0x4c: {  	s29 =	sshra.s32 s29, $0x2;
	[sflag:s18] =	ssyncadd.s32 $0xFFFFC000  }
0x4d: {  	[spmem:s2] =	stream.indirect.scatter.add.f32 [tilespmem:s19], [sflag:$0x1], $0x80, s29, s22, $0xb8;
	[tilespmem:$0x1A080] =	vst v63  }
0x4e: {  	_ =	swait.ge [sflag:s18], $0x4000  }
0x4f: {  	[sflag:s18] =	ssyncset.done $0x0  }
0x50: {  	[sflag:s18] =	ssyncadd.s32 $0xFFFFC000;
	s26 =	sshll.u32 s1, $0x6  }
0x51: {  	s29 =	sshrl.u32 s4, $0x3;
	[bflag:$0x0] =	sbarrier.arrive $0xFFFF;
	s26 =	sor.u32 $0x1C01, s26  }
0x52: {  	[hbm:s11@s24], [sflag:s26] =	dma.strided [spmem:s29@s22], $0x2700, s23, $0x10   }
0x53: {  	_ =	swait.ge [sflag:s18], $0x2700  }
0x54: {  	s28 =	sshrl.u32 @!p0 s10, $0x3;
	s30 =	simm.s32 @!p0 $0x8;
	[sflag:s18] =	ssyncset.done $0x0  }
0x55: {  	s31 =	simm.s32 @!p0 $0x200;
	s0 =	simm.s32 @!p0 $0x80;
	[sflag:s18] =	ssyncadd.s32 $0xFFFFD900  }
0x56: {  	[hbm:s12@s31], [sflag:s26] =	dma.strided @!p0 [spmem:s28@s0], $0x100, s30, $0x10   }
0x57: {  	s0 =	simm.s32 @!p0 $0x1  }
0x58: {  	_ =	swait.ge @!p0 [sflag:s0], $0x100  }
0x59: {  	[sflag:s0] =	ssyncset.done @!p0 $0x0  }
0x5a: {  	[sflag:s0] =	ssyncadd.s32 @!p0 $0xFFFFFF00  }
0x5b: {  	s30 =	simm.s32 $0x0;
	s31 =	simm.s32 $0x200;
	[bflag:$0x0] =	sbarrier.arrive $0xFFFF  }
.LBB2_6:
0x5c: {  	p1 =	sne.s32 s31, $0xFE00;
	[tilespmem:s30+$0x2870] =	vst v0  }
0x5d: {  	[tilespmem:s30+$0x2800] =	vst v0  }
0x5e: {  	[tilespmem:s30+$0x2810] =	vst v0  }
.Ltmp2:
0x5f: {  	[tilespmem:s30+$0x2820] =	vst v0;
	(pc) =	sbr.rel @p1 .LBB2_6-.Ltmp2, $4  }
0x60: {  	[tilespmem:s30+$0x2830] =	vst v0  }
0x61: {  	[tilespmem:s30+$0x2840] =	vst v0  }
0x62: {  	[tilespmem:s30+$0x2850] =	vst v0  }
0x63: {  	[tilespmem:s30+$0x2860] =	vst v0;
	s30 =	sshra.s32 s31, $0x2;
	s31 =	sadd.s32 $0x200, s31  }
0x64: {  	[tilespmem:s30+$0x2870] =	vst v0  }
0x65: {  	[tilespmem:s30+$0x2800] =	vst v0  }
0x66: {  	[tilespmem:s30+$0x2810] =	vst v0  }
0x67: {  	[tilespmem:s30+$0x2820] =	vst v0  }
0x68: {  	[tilespmem:s30+$0x2830] =	vst v0  }
0x69: {  	[tilespmem:s30+$0x2840] =	vst v0  }
0x6a: {  	[tilespmem:s30+$0x2850] =	vst v0  }
0x6b: {  	[tilespmem:s30+$0x2860] =	vst v0  }
0x6c: {  	[spmem:s4] =	stream.linear.scatter [tilespmem:s19], [sflag:$0x1], $0x4000, $0x38;
	[tilespmem:$0x1A080] =	vst v63  }
0x6d: {  	_ =	swait.ge [sflag:s18], $0x4000  }
0x6e: {  	[sflag:s18] =	ssyncset.done $0x0  }
0x6f: {  	[sflag:s18] =	ssyncadd.s32 $0xFFFFC000  }
0x70: {  	[spmem:s6] =	stream.linear.scatter [tilespmem:s19], [sflag:$0x1], $0x4000, $0x38;
	[tilespmem:$0x1A080] =	vst v63  }
0x71: {  	_ =	swait.ge [sflag:s18], $0x4000  }
0x72: {  	[sflag:s18] =	ssyncset.done $0x0  }
0x73: {  	[sflag:s18] =	ssyncadd.s32 $0xFFFFC000  }
0x74: {  	[spmem:s7] =	stream.linear.scatter [tilespmem:s19], [sflag:$0x1], $0x4000, $0x38;
	[tilespmem:$0x1A080] =	vst v63  }
0x75: {  	_ =	swait.ge [sflag:s18], $0x4000  }
0x76: {  	[sflag:s18] =	ssyncset.done $0x0  }
0x77: {  	[sflag:s18] =	ssyncadd.s32 $0xFFFFC000  }
0x78: {  	[spmem:s8] =	stream.linear.scatter [tilespmem:s19], [sflag:$0x1], $0x4000, $0x38;
	[tilespmem:$0x1A080] =	vst v63  }
0x79: {  	_ =	swait.ge [sflag:s18], $0x4000  }
0x7a: {  	[sflag:s18] =	ssyncset.done $0x0  }
0x7b: {  	[sflag:s18] =	ssyncadd.s32 $0xFFFFC000  }
0x7c: {  	[spmem:s9] =	stream.linear.scatter [tilespmem:s19], [sflag:$0x1], $0x3800, $0x38;
	[tilespmem:$0x1A080] =	vst v63  }
0x7d: {  	_ =	swait.ge [sflag:s18], $0x3800  }
0x7e: {  	[sflag:s18] =	ssyncset.done $0x0  }
0x7f: {  	s0 =	simm.s32 @!p0 $0x2800;
	[sflag:s18] =	ssyncadd.s32 $0xFFFFC800  }
0x80: {  	[spmem:s10] =	stream.linear.scatter @!p0 [tilespmem:s0], [sflag:$0x1], $0x800, $0x38;
	[tilespmem:$0x1A080] =	vst v63  }
0x81: {  	s0 =	simm.s32 @!p0 $0x1  }
0x82: {  	_ =	swait.ge @!p0 [sflag:s0], $0x800  }
0x83: {  	[sflag:s0] =	ssyncset.done @!p0 $0x0  }
0x84: {  	[sflag:s0] =	ssyncadd.s32 @!p0 $0xFFFFF800  }
0x85: {  	[bflag:$0x0] =	sbarrier.arrive $0xFFFF  }
0x86: {  	[tilespmem:s19], [sflag:$0x1] =	stream.strided.gather [hbm4b:s17+s20], $0x4000, s21, s20, $0x38;
	[tilespmem:$0x1A080] =	vst v63  }
0x87: {  	_ =	swait.ge [sflag:s18], $0x4000  }
0x88: {  	[sflag:s18] =	ssyncset.done $0x0  }
0x89: {  	s0 =	simm.s32 $0x0;
	[sflag:s18] =	ssyncadd.s32 $0xFFFFC000  }
0x8a: {  	[spmem:s2] =	stream.indirect.scatter.add.f32 [tilespmem:s19], [sflag:$0x1], $0x80, s0, s22, $0xb8;
	[tilespmem:$0x1A080] =	vst v63  }
0x8b: {  	_ =	swait.ge [sflag:s18], $0x4000  }
0x8c: {  	s30 =	simm.s32 $0x200;
	s31 =	smov.u32 s17;
	[sflag:s18] =	ssyncset.done $0x0  }
.LBB2_8:
0x8d: {  	p1 =	sne.s32 s30, $0x9E00;
	[sflag:s18] =	ssyncadd.s32 $0xFFFFC000;
	s31 =	sadd.s32 $0x2000, s31  }
0x8e: {  	[tilespmem:s19], [sflag:$0x1] =	stream.strided.gather [hbm4b:s31+s20], $0x4000, s21, s20, $0x38;
	[tilespmem:$0x1A080] =	vst v63  }
0x8f: {  	s0 =	smov.u32 s30;
	s30 =	sadd.s32 $0x200, s30;
	_ =	swait.ge [sflag:s18], $0x4000  }
.Ltmp3:
0x90: {  	[sflag:s18] =	ssyncset.done $0x0;
	(pc) =	sbr.rel @p1 .LBB2_8-.Ltmp3, $4  }
0x91: {  	s0 =	sshra.s32 s0, $0x2;
	[sflag:s18] =	ssyncadd.s32 $0xFFFFC000  }
0x92: {  	[spmem:s2] =	stream.indirect.scatter.add.f32 [tilespmem:s19], [sflag:$0x1], $0x80, s0, s22, $0xb8;
	[tilespmem:$0x1A080] =	vst v63  }
0x93: {  	_ =	swait.ge [sflag:s18], $0x4000  }
0x94: {  	[sflag:s18] =	ssyncset.done $0x0  }
0x95: {  	[sflag:s18] =	ssyncadd.s32 $0xFFFFC000  }
0x96: {  	[bflag:$0x0] =	sbarrier.arrive $0xFFFF  }
0x97: {  	[hbm:s13@s24], [sflag:s26] =	dma.strided [spmem:s29@s22], $0x2700, s23, $0x10   }
0x98: {  	_ =	swait.ge [sflag:s18], $0x2700  }
0x99: {  	s0 =	simm.s32 @!p0 $0x8;
	s30 =	simm.s32 @!p0 $0x80;
	[sflag:s18] =	ssyncset.done $0x0  }
0x9a: {  	s25 =	sadd.s32 $0x1, s25;
	s29 =	simm.s32 @!p0 $0x200;
	[sflag:s18] =	ssyncadd.s32 $0xFFFFD900  }
0x9b: {  	[hbm:s14@s29], [sflag:s26] =	dma.strided @!p0 [spmem:s28@s30], $0x100, s0, $0x10   }
0x9c: {  	p1 =	sne.s32 s25, s15;
	s0 =	simm.s32 @!p0 $0x1  }
.Ltmp4:
0x9d: {  	_ =	swait.ge @!p0 [sflag:s0], $0x100;
	(pc) =	sbr.rel @p1 .LBB2_1-.Ltmp4, $3  }
0x9e: {  	[sflag:s0] =	ssyncset.done @!p0 $0x0  }
0x9f: {  	[sflag:s0] =	ssyncadd.s32 @!p0 $0xFFFFFF00  }
0xa0: {  	[bflag:$0x0] =	sbarrier.arrive $0xFFFF;
	_ =	sdelay $0x1  }
0xa1: {  	_ =	sfence.sel $0x180000  }
0xa2: {  	[bflag:$0x0] =	sbarrier.arrive $0xFFFF  }
0xa3: {  	_ =	strace $0x9000004A  }
0xa4: {  	[bflag:$0x2] =	sbarrier.arrive $0xFFFF  }
0xa5: {  	p0 =	sne.s32 s1, $0x0;
	s0 =	rddreg [dreg:$0x3]  }
0xa6: {  	s0 =	sadd.s32 @!p0 $0x100000, s0  }
0xa7: {  	[sflag:s0] =	ssyncadd.tile.s32 @!p0 $0x1;
	_ =	shalt  }
.Lfunc_end2:
_tile_overlayer_lowered:
.L_overlay_start_2:
0xa8: {  	(tag) =	ssettag $0x2  }
0xa9: {  	s0 =	rddreg [dreg:$0x0];
	s2 =	stileid.u32  }
0xaa: {  	s1 =	rddreg [dreg:$0x1];
	p0 =	sne.s32 s2, $0x0  }
0xab: {  	s3 =	rddreg [dreg:$0x2];
	[bflag:$0x3] =	sbarrier.arrive $0xFFFF;
	s2 =	simm.s32 @!p0 $0x1C01  }
0xac: {  	[timem:s3], [sflag:s2] =	dma.local @!p0 [hbm:s0], s1  }
0xad: {  	s0 =	simm.s32 @!p0 $0x1  }
0xae: {  	_ =	swait.ge @!p0 [sflag:s0], s1  }
0xaf: {  	s1 =	ssub.s32 @!p0 $0x0, s1;
	[sflag:s0] =	ssyncset.done @!p0 $0x0  }
0xb0: {  	[sflag:s0] =	ssyncadd.s32 @!p0 s1  }
0xb1: {  	[bflag:$0x3] =	sbarrier.arrive $0xFFFF  }
0xb2: {  	_ =	shalt  }

// kernel: kernel.7.cloned.1.call-start
scs
__scs_entry_jumppad:
0x0: {  	(pc) =	sbr.rel $0x88, $3  }
0x1: {  	(tag) =	ssettag $0x0;
	lr =	simm.s32 $0x1  }
0x2: {  	[smem:$0x3F86] =	sst lr;
	_ =	strace $0xD0000000  }
0x3: {  	_ = 	snop  }
0x4: {  	_ = 	snop  }
0x5: {  	_ = 	snop  }
0x6: {  	_ = 	snop  }
0x7: {  	_ = 	snop  }
__scs_overlays_trampoline_lowered:
0x8: {  	[smem:$0x3F95] =	sst s0  }
0x9: {  	[smem:$0x3F96] =	sst s1  }
0xa: {  	[smem:$0x3F97] =	sst s2  }
0xb: {  	[smem:$0x3F98] =	sst s3  }
0xc: {  	[smem:$0x3F99] =	sst s4  }
0xd: {  	[smem:$0x3F9A] =	sst s5  }
0xe: {  	[smem:$0x3F9B] =	sst s6  }
0xf: {  	[smem:$0x3F9C] =	sst s7  }
0x10: {  	[smem:$0x3F9D] =	sst s8  }
0x11: {  	[smem:$0x3F9E] =	sst s9;
	s0 =	simm.s32 @!p0 $0x0  }
0x12: {  	s1 =	sld [smem:$0x3F84];
	s0 =	simm.s32 @p0 $0x1  }
0x13: {  	[smem:$0x3F9F] =	sst s0;
	s0 =	simm.s32 @!p1 $0x0  }
0x14: {  	s2 =	sld [smem:$0x3F83];
	s0 =	simm.s32 @p1 $0x1  }
0x15: {  	[smem:$0x3FA0] =	sst s0;
	s0 =	simm.s32 @!p2 $0x0  }
0x16: {  	s3 =	sld [smem:$0x3FDB];
	s0 =	simm.s32 @p2 $0x1  }
0x17: {  	s4 =	simm.s32 $0x1BF5;
	[smem:$0x3FA2] =	sst s0  }
0x18: {  	s0 =	sld [smem:$0x3F85];
	_ =	swait.ge [sflag:s4], $0x0  }
0x19: {  	s7 =	sld [smem:$0x3F86]  }
0x1a: {  	s8 =	sadd.s32 $0xFFFFE003, lr  }
0x1b: {  	s9 =	sadd.s32 $0xFFFFFEF7, lr;
	s5 =	simm.s32 $0xFFFFFFFF;
	p2 =	slt.u32 s8, $0xFFFFF086  }
0x1c: {  	p1 =	slt.u32 s9, $0xF7A;
	s5 =	simm.s32 @!p2 $0x0  }
0x1d: {  	s5 =	simm.s32 @p1 $0x1;
	p0 =	seq.s32 s7, s2  }
0x1e: {  	s7 =	smul.u32 @!p0 $0xF7A, s2;
	p2 =	seq.s32 @!p0 s5, $0x0  }
0x1f: {  	s9 =	smul.u32 $0xF7A, s1;
	s8 =	simm.s32 @!p0 $0x1BF5;
	p2 =	por !p2, p0  }
0x20: {  	[sflag:s8] =	ssyncset.s32 @!p0 $0xFFFFF086;
	s6 =	sadd.s32 @!p0 s3, s7;
	s7 =	simm.s32 @!p0 $0x108  }
0x21: {  	s3 =	sadd.s32 s3, s9;
	s6 =	sadd.s32 @!p0 $0x88, s6;
	s7 =	simm.s32 @p2 $0x1082  }
0x22: {  	[simem:s7], [sflag:s8] =	dma.local @!p0 [hbm:s6], $0xF7A  }
0x23: {  	s9 =	sor.u32 $0xD0000000, s2;
	s6 =	simm.s32 $0x108;
	_ =	swait.ge @!p0 [sflag:s8], $0x0  }
0x24: {  	s3 =	sadd.s32 $0x88, s3;
	s6 =	simm.s32 @!p1 $0x1082;
	[sflag:s4] =	ssyncset.s32 $0xFFFFF086  }
0x25: {  	[simem:s6], [sflag:s4] =	dma.local [hbm:s3], $0xF7A  }
0x26: {  	[smem:$0x3F86] =	sst s1;
	(tag) =	ssettag s2;
	_ =	strace s9  }
0x27: {  	s1 =	sld [smem:$0x3F96]  }
0x28: {  	s2 =	sld [smem:$0x3F97]  }
0x29: {  	s4 =	sld [smem:$0x3F99]  }
0x2a: {  	p0 =	seq.s32 s5, $0x0;
	s5 =	sld [smem:$0x3F9A]  }
0x2b: {  	s6 =	sld [smem:$0x3F9B]  }
0x2c: {  	s7 =	sld [smem:$0x3F9C]  }
0x2d: {  	s3 =	simm.s32 $0x108;
	s8 =	sld [smem:$0x3F9D]  }
0x2e: {  	s3 =	simm.s32 @!p0 $0x1082;
	s9 =	sld [smem:$0x3F9E]  }
0x2f: {  	lr =	sadd.s32 s0, s3;
	s0 =	sld [smem:$0x3F95]  }
0x30: {  	s3 =	sld [smem:$0x3F98]  }
0x31: {  	[smem:$0x3FA1] =	sst s10  }
0x32: {  	s10 =	sld [smem:$0x3F9F];
	_ =	sdelay $0x3  }
0x33: {  	p0 =	seq.s32 s10, $0x1;
	s10 =	sld [smem:$0x3FA1];
	_ =	sdelay $0x3  }
0x34: {  	[smem:$0x3FA1] =	sst s10  }
0x35: {  	s10 =	sld [smem:$0x3FA0];
	_ =	sdelay $0x3  }
0x36: {  	p1 =	seq.s32 s10, $0x1;
	s10 =	sld [smem:$0x3FA1];
	_ =	sdelay $0x3  }
0x37: {  	[smem:$0x3FA1] =	sst s10  }
0x38: {  	s10 =	sld [smem:$0x3FA2]  }
0x39: {  	_ = 	snop;
	(pc) =	sbr.ind lr, $3  }
0x3a: {  	_ = 	snop  }
0x3b: {  	_ = 	snop  }
0x3c: {  	p2 =	seq.s32 s10, $0x1;
	s10 =	sld [smem:$0x3FA1]  }
0x3d: {  	_ =	shalt  }
0x3e: {  	_ =	shalt  }
0x3f: {  	_ =	shalt  }
0x40: {  	_ =	shalt  }
0x41: {  	_ =	shalt  }
0x42: {  	_ =	shalt  }
0x43: {  	_ =	shalt  }
0x44: {  	_ =	shalt  }
0x45: {  	_ =	shalt  }
0x46: {  	_ =	shalt  }
0x47: {  	_ =	shalt  }
0x48: {  	_ =	shalt  }
0x49: {  	_ =	shalt  }
0x4a: {  	_ =	shalt  }
0x4b: {  	_ =	shalt  }
0x4c: {  	_ =	shalt  }
0x4d: {  	_ =	shalt  }
0x4e: {  	_ =	shalt  }
0x4f: {  	_ =	shalt  }
0x50: {  	_ =	shalt  }
0x51: {  	_ =	shalt  }
0x52: {  	_ =	shalt  }
0x53: {  	_ =	shalt  }
0x54: {  	_ =	shalt  }
0x55: {  	_ =	shalt  }
0x56: {  	_ =	shalt  }
0x57: {  	_ =	shalt  }
0x58: {  	_ =	shalt  }
0x59: {  	_ =	shalt  }
0x5a: {  	_ =	shalt  }
0x5b: {  	_ =	shalt  }
0x5c: {  	_ =	shalt  }
0x5d: {  	_ =	shalt  }
0x5e: {  	_ =	shalt  }
0x5f: {  	_ =	shalt  }
0x60: {  	_ =	shalt  }
0x61: {  	_ =	shalt  }
0x62: {  	_ =	shalt  }
0x63: {  	_ =	shalt  }
0x64: {  	_ =	shalt  }
0x65: {  	_ =	shalt  }
0x66: {  	_ =	shalt  }
0x67: {  	_ =	shalt  }
0x68: {  	_ =	shalt  }
0x69: {  	_ =	shalt  }
0x6a: {  	_ =	shalt  }
0x6b: {  	_ =	shalt  }
0x6c: {  	_ =	shalt  }
0x6d: {  	_ =	shalt  }
0x6e: {  	_ =	shalt  }
0x6f: {  	_ =	shalt  }
0x70: {  	_ =	shalt  }
0x71: {  	_ =	shalt  }
0x72: {  	_ =	shalt  }
0x73: {  	_ =	shalt  }
0x74: {  	_ =	shalt  }
0x75: {  	_ =	shalt  }
0x76: {  	_ =	shalt  }
0x77: {  	_ =	shalt  }
0x78: {  	_ =	shalt  }
0x79: {  	_ =	shalt  }
0x7a: {  	_ =	shalt  }
0x7b: {  	_ =	shalt  }
0x7c: {  	_ =	shalt  }
0x7d: {  	_ =	shalt  }
0x7e: {  	_ =	shalt  }
0x7f: {  	_ =	shalt  }
0x80: {  	_ =	shalt  }
0x81: {  	_ =	shalt  }
0x82: {  	_ =	shalt  }
0x83: {  	_ =	shalt  }
0x84: {  	_ =	shalt  }
0x85: {  	_ =	shalt  }
0x86: {  	_ =	shalt  }
0x87: {  	_ =	shalt  }
.Lfunc_end0:
.L_simem_size_0:
called_computation_lowered:
.L_overlay_start_0:
0x88: {  	s2 =	sld [smem:$0x3FD9]  }
0x89: {  	s3 =	sld [smem:$0x3FFE];
	_ =	sdelay $0x1  }
0x8a: {  	s1 =	srdreg.scid  }
0x8b: {  	s0 =	sand.u32 $0x1, s1  }
0x8c: {  	s14 =	sshll.u32 s0, $0xA;
	s2 =	sadd.s32 s3, s2  }
0x8d: {  	s2 =	sadd.s32 s2, s14  }
0x8e: {  	[smem:$0x3FAD] =	sst s2  }
0x8f: {  	_ = 	snop  }
0x90: {  	s2 =	sld [smem:$0x3FD0];
	_ =	sdelay $0x2  }
0x91: {  	s4 =	simm.s32 $0xA;
	s5 =	simm.s32 $0x10;
	s15 =	sld [smem:$0x3FC9]  }
0x92: {  	[smem:s5], [sflag:s4] =	dma.local [hbm:s2], $0x1  }
0x93: {  	_ =	swait.eq [sflag:s4], $0x1  }
0x94: {  	[sflag:s4] =	ssyncset.done $0x0  }
0x95: {  	s16 =	sld [smem:$0x10];
	[sflag:s4] =	ssyncadd.s32 $0xFFFFFFFF  }
0x96: {  	s17 =	sld [smem:$0x11];
	(tm) =	ssettm $0x1  }
0x97: {  	s18 =	sld [smem:$0x3FFB];
	_ =	sdelay $0x3  }
0x98: {  	_ =	strace s18  }
0x99: {  	s5 =	sld [smem:$0x3FFC];
	_ =	sdelay $0x3  }
0x9a: {  	_ =	strace s5  }
0x9b: {  	s5 =	sld [smem:$0x3FFD];
	_ =	sdelay $0x3  }
0x9c: {  	_ =	strace s5  }
0x9d: {  	_ =	strace $0x8FFFFFFF  }
0x9e: {  	s19 =	sld [smem:$0x3FDB];
	_ =	sdelay $0x1  }
0x9f: {  	s6 =	simm.s32 $_scs_section_size  }
0xa0: {  	s7 =	simm.s32 $_size__tile_overlayer_lowered;
	s8 =	simm.s32 $_tile_overlayer_lowered  }
0xa1: {  	s22 =	simm.s32 $0x1BFF;
	s21 =	sshll.u32 s8, $0x1;
	s5 =	sadd.s32 s6, s19  }
0xa2: {  	s9 =	simm.s32 $0x0;
	s20 =	sshll.u32 s7, $0x1;
	s7 =	sadd.s32 s21, s5  }
0xa3: {  	[timem:s9], [sflag:s22] =	dma.local [hbm:s7], s20  }
0xa4: {  	_ =	swait.ge [sflag:s22], s20  }
0xa5: {  	s6 =	ssub.s32 $0x0, s20;
	[sflag:s22] =	ssyncset.done $0x0  }
0xa6: {  	[sflag:s22] =	ssyncadd.s32 s6;
	_ =	sdelay $0x1  }
0xa7: {  	s23 =	simm.s32 $0x1B8B  }
0xa8: {  	_ =	swait.ge [sflag:s23], $0x1  }
0xa9: {  	[sflag:s23] =	ssyncset.done $0x0  }
0xaa: {  	s25 =	simm.s32 $0x1B8E;
	s24 =	sld [smem:$0x3FFE];
	[sflag:s23] =	ssyncadd.s32 $0xFFFFFFFF  }
0xab: {  	s26 =	simm.s32 $execute0_lowered;
	[smem:$0x3FD2] =	sst s25  }
0xac: {  	s7 =	sshll.u32 s26, $0x1;
	_ =	strace $0x80000046;
	[dreg:$0x1] =	wrdreg $0xFFFFFFFF  }
0xad: {  	s28 =	simm.s32 $_size_execute0_lowered;
	s5 =	sadd.s32 s5, s7;
	[dreg:$0x0] =	wrdreg $0x0  }
0xae: {  	s7 =	sshll.u32 s28, $0x1;
	[dreg:$0x2] =	wrdreg s5  }
0xaf: {  	[dreg:$0x3] =	wrdreg s7  }
0xb0: {  	[dreg:$0x4] =	wrdreg $0xC0  }
0xb1: {  	_ =	task [dreg:s9], $0x5FFFF  }
0xb2: {  	[dreg:$0x1] =	wrdreg $0xFFFFFFFF  }
0xb3: {  	[dreg:$0x0] =	wrdreg $0x60  }
0xb4: {  	[dreg:$0x2] =	wrdreg s15  }
0xb5: {  	[dreg:$0x3] =	wrdreg s17  }
0xb6: {  	[dreg:$0x4] =	wrdreg s24  }
0xb7: {  	[dreg:$0x5] =	wrdreg s16  }
0xb8: {  	[dreg:$0x6] =	wrdreg $0x9  }
0xb9: {  	_ =	task.clear_ibuf [dreg:s9], $0x7FFFF;
	_ =	strace $0x90000046  }
0xba: {  	s29 =	simm.s32 $0x9;
	_ =	strace $0x80000048  }
0xbb: {  	_ =	swait.ge [sflag:s29], $0x1  }
0xbc: {  	[sflag:s29] =	ssyncadd.s32 $0xFFFFFFFF  }
0xbd: {  	_ =	strace $0x90000048  }
0xbe: {  	_ =	sfence  }
0xbf: {  	s30 =	sld [smem:$0x0];
	_ =	sdelay $0x2  }
0xc0: {  	s31 =	sshll.u32 s1, $0xD;
	s1 =	sshrl.u32 s1, $0x2  }
0xc1: {  	s3 =	sand.u32 $0x4000, s31;
	s1 =	sadd.s32 s1, s30  }
0xc2: {  	s0 =	sor.u32 s3, s0;
	s1 =	sshll.u32 s1, $0x11  }
0xc3: {  	s0 =	sor.u32 s1, s0  }
0xc4: {  	s0 =	sadd.s32 $0x8F2B, s0  }
0xc5: {  	[sflag:s0] =	ssyncadd.remote.s32 $0x1  }
0xc6: {  	_ =	sfence.sel $0xFFFF  }
0xc7: {  	[dreg:$0x0] =	wrdreg $0xFFFFFFFF;
	(pc) =	sbr.abs _section_cstart, $3  }
0xc8: {  	[dreg:$0x1] =	wrdreg $0xFFFFFFFF  }
0xc9: {  	_ =	task.clear_ibuf [dreg:s9], $0x2FFFF;
	_ =	strace $0x9FFFFFFF  }
0xca: {  	(tm) =	ssettm $0x7FFFFFFF  }
0xcb: {  	_ =	shalt  }
tec
execute0_lowered:
.L_overlay_start_1:
0x0: {  	(tag) =	ssettag $0x1  }
0x1: {  	s1 =	rddreg [dreg:$0x0]  }
0x2: {  	s0 =	srdreg.scid;
	s2 =	rddreg [dreg:$0x1]  }
0x3: {  	s8 =	stileid.u32;
	s5 =	rddreg [dreg:$0x2]  }
0x4: {  	s6 =	rddreg [dreg:$0x3];
	s4 =	simm.s32 $0x0;
	s17 =	simm.s32 $0xB000  }
0x5: {  	s19 =	simm.s32 $0xB400;
	s20 =	simm.s32 $0xBC00;
	[smem:$0x7FF] =	sst s4  }
0x6: {  	s21 =	simm.s32 $0xC000;
	_ =	strace $0x80000047;
	[dreg:$0x5] =	wrdreg s17  }
0x7: {  	s23 =	simm.s32 $0xC800;
	s24 =	simm.s32 $0xCC00;
	[dreg:$0x6] =	wrdreg s19  }
0x8: {  	s25 =	simm.s32 $0xD400;
	s12 =	simm.s32 $0xE000;
	[dreg:$0x7] =	wrdreg s20  }
0x9: {  	s14 =	simm.s32 $0xE400;
	s15 =	simm.s32 $0xEC00;
	[dreg:$0x8] =	wrdreg s21  }
0xa: {  	s16 =	simm.s32 $0xF000;
	s28 =	simm.s32 $0x16400;
	[dreg:$0x9] =	wrdreg s23  }
0xb: {  	s29 =	simm.s32 $0x1;
	s30 =	simm.s32 $0x2;
	[dreg:$0xa] =	wrdreg s24  }
0xc: {  	s31 =	simm.s32 $0x3;
	s0 =	sand.u32 $0x1, s0;
	[dreg:$0xb] =	wrdreg s25  }
0xd: {  	s3 =	sshll.u32 s8, $0x1;
	s7 =	smul.u32 $0x28000, s8;
	[dreg:$0xd] =	wrdreg s12  }
0xe: {  	s8 =	smul.u32 $0x78000, s8;
	s3 =	sor.u32 s0, s3;
	[dreg:$0xe] =	wrdreg s14  }
0xf: {  	s18 =	ssub.s32 $0x2, s0;
	s26 =	smul.u32 $0x14000, s0;
	[dreg:$0xf] =	wrdreg s15  }
0x10: {  	s0 =	smul.u32 $0x3C000, s0;
	[dreg:$0x10] =	wrdreg s16;
	s19 =	simm.s32 $0xFC00  }
0x11: {  	s20 =	simm.s32 $0x10400;
	s12 =	simm.s32 $0x4;
	s21 =	simm.s32 $0x10800  }
0x12: {  	s14 =	simm.s32 $0x80;
	s23 =	simm.s32 $0x11400;
	[dreg:$0x12] =	wrdreg s19  }
0x13: {  	s15 =	simm.s32 $0x2800;
	s24 =	simm.s32 $0x11C00;
	[dreg:$0x13] =	wrdreg s20  }
0x14: {  	s16 =	simm.s32 $0x6800;
	s25 =	simm.s32 $0x12000;
	[dreg:$0x14] =	wrdreg s21  }
0x15: {  	s3 =	smul.u32 $0x280, s3;
	s10 =	sadd.s32 s7, s5;
	[dreg:$0x16] =	wrdreg s23  }
0x16: {  	s8 =	sadd.s32 s8, s5;
	s11 =	sshrl.u32 s18, $0x1;
	[dreg:$0x17] =	wrdreg s24  }
0x17: {  	s7 =	sadd.s32 $0x100, s2;
	[dreg:$0x18] =	wrdreg s25;
	s19 =	simm.s32 $0x13400  }
0x18: {  	s20 =	simm.s32 $0x13800;
	s21 =	simm.s32 $0x14000;
	s23 =	simm.s32 $0x14C00  }
0x19: {  	s24 =	simm.s32 $0x15000;
	s11 =	ssub.s32 s18, s11;
	s18 =	simm.s32 $0xF800  }
0x1a: {  	s13 =	sadd.s32 s26, s10;
	s26 =	simm.s32 $0x12800;
	[dreg:$0x11] =	wrdreg s18  }
0x1b: {  	s9 =	sadd.s32 s3, s5;
	s3 =	sadd.s32 s6, s3;
	[dreg:$0x19] =	wrdreg s26  }
0x1c: {  	s25 =	simm.s32 $0x15800;
	s11 =	smax.u32 s11, $0x1;
	[dreg:$0x1b] =	wrdreg s3  }
0x1d: {  	s0 =	sadd.s32 s0, s8;
	s5 =	sadd.s32 $0x9200, s13;
	[dreg:$0x1c] =	wrdreg s11  }
0x1e: {  	s17 =	sadd.s32 $0x289200, s13;
	s0 =	sadd.s32 $0x509200, s0;
	[dreg:$0x1d] =	wrdreg s5  }
0x1f: {  	s18 =	simm.s32 $0x12C00;
	s22 =	sadd.s32 $0x4200, s9;
	[dreg:$0x1e] =	wrdreg s17  }
0x20: {  	v2 =	vlaneseq.u32;
	s26 =	simm.s32 $0x15C00;
	s9 =	simm.s32 $0xD800;
	[dreg:$0x1a] =	wrdreg s22  }
0x21: {  	vm0 =	vmmov $0xffff;
	vm1 =	vmmov $0xff;
	v1 =	vshrl.u32 v2, $0x3;
	s17 =	simm.s32 $0xA800;
	[dreg:$0xc] =	wrdreg s9;
	s22 =	simm.s32 $0x11000  }
0x22: {  	v0 =	vand.u32 $0x7, v2;
	v2 =	vor.u32 $0x8, v2;
	v1 =	vmul.u32 $0x8, v1;
	s3 =	simm.s32 $0x0;
	[dreg:$0x15] =	wrdreg s22;
	s22 =	simm.s32 $0x14400  }
.LBB2_1:
0x23: {  	s5 =	rddreg [dreg:$0x1a]  }
0x24: {  	[tilespmem:s4], [sflag:$0x4] =	stream.linear.gather [hbm4b:s5+s4], $0x1400, $0x38;
	[tilespmem:$0x16800] =	vst v63  }
0x25: {  	_ =	swait.ge [sflag:s12], $0x1400  }
0x26: {  	[sflag:s12] =	ssyncset.done $0x0  }
0x27: {  	s6 =	simm.s32 $0x1400;
	s13 =	rddreg [dreg:$0x1b];
	[sflag:s12] =	ssyncadd.s32 $0xFFFFEC00  }
0x28: {  	[tilespmem:s6], [sflag:$0x4] =	stream.linear.gather [hbm4b:s13+s4], $0x1400, $0x38;
	[tilespmem:$0x16800] =	vst v63  }
0x29: {  	_ =	swait.ge [sflag:s12], $0x1400  }
0x2a: {  	s11 =	smov.u32 s0;
	[sflag:s12] =	ssyncset.done $0x0;
	s10 =	rddreg [dreg:$0x1e]  }
0x2b: {  	s6 =	simm.s32 $0x0;
	s9 =	rddreg [dreg:$0x1d];
	[sflag:s12] =	ssyncadd.s32 $0xFFFFEC00  }
.LBB2_2:
0x2c: {  	s8 =	sshra.s32 s6, $0x2  }
0x2d: {  	[tilespmem:s15], [sflag:$0x1] =	stream.indirect.gather [hbm4b:s1+s14], $0x80, s8, s14, $0xb8;
	[tilespmem:$0x16800] =	vst v63  }
0x2e: {  	s5 =	sadd.s32 $0x1400, s8  }
0x2f: {  	[tilespmem:s16], [sflag:$0x2] =	stream.indirect.gather [hbm4b:s1+s14], $0x80, s5, s14, $0xb8;
	[tilespmem:$0x16800] =	vst v63  }
0x30: {  	v3 =	vld [tilespmem:s8+$0x0];
	_ =	sdelay $0x4  }
0x31: {  	v4 =	vshrl.u32 v3, $0x3  }
0x32: {  	v4 =	vmul.u32 $0x18, v4  }
0x33: {  	v3 =	vand.u32 $0x7, v3  }
0x34: {  	v3 =	vor.u32 v3, v4  }
0x35: {  	v4 =	vperm.xlane v3, v0;
	_ =	sdelay $0x1  }
0x36: {  	v4 =	vadd.s32 v1, v4;
	_ =	sdelay $0x1  }
0x37: {  	v3 =	vperm.xlane v3, v2;
	_ =	sdelay $0x1  }
0x38: {  	v3 =	vadd.s32 v1, v3  }
0x39: {  	[tilespmem:s17], [sflag:$0x3] =	stream.indirect_vreg.gather [hbm4b:s2+s4], $0x80, v4, vm0, $0xb8;
	[tilespmem:$0x16800] =	vst v63  }
0x3a: {  	s5 =	rddreg [dreg:$0x5]  }
0x3b: {  	[tilespmem:s5], [sflag:$0x3] =	stream.indirect_vreg.gather [hbm4b:s7+s4], $0x80, v4, vm1, $0xb8;
	[tilespmem:$0x16800] =	vst v63  }
0x3c: {  	s13 =	rddreg [dreg:$0x6]  }
0x3d: {  	[tilespmem:s13], [sflag:$0x3] =	stream.indirect_vreg.gather [hbm4b:s2+s4], $0x80, v3, vm0, $0xb8;
	[tilespmem:$0x16800] =	vst v63  }
0x3e: {  	s5 =	rddreg [dreg:$0x7]  }
0x3f: {  	[tilespmem:s5], [sflag:$0x3] =	stream.indirect_vreg.gather [hbm4b:s7+s4], $0x80, v3, vm1, $0xb8;
	[tilespmem:$0x16800] =	vst v63  }
0x40: {  	v3 =	vld [tilespmem:s8+$0x10];
	_ =	sdelay $0x4  }
0x41: {  	v57 =	vshrl.u32 v3, $0x3  }
0x42: {  	v4 =	vmul.u32 $0x18, v57  }
0x43: {  	v3 =	vand.u32 $0x7, v3  }
0x44: {  	v3 =	vor.u32 v3, v4  }
0x45: {  	v4 =	vperm.xlane v3, v0;
	_ =	sdelay $0x1  }
0x46: {  	v4 =	vadd.s32 v1, v4;
	_ =	sdelay $0x1  }
0x47: {  	v3 =	vperm.xlane v3, v2;
	_ =	sdelay $0x1  }
0x48: {  	s5 =	rddreg [dreg:$0x8];
	v3 =	vadd.s32 v1, v3  }
0x49: {  	[tilespmem:s5], [sflag:$0x3] =	stream.indirect_vreg.gather [hbm4b:s2+s4], $0x80, v4, vm0, $0xb8;
	[tilespmem:$0x16800] =	vst v63  }
0x4a: {  	s13 =	rddreg [dreg:$0x9]  }
0x4b: {  	[tilespmem:s13], [sflag:$0x3] =	stream.indirect_vreg.gather [hbm4b:s7+s4], $0x80, v4, vm1, $0xb8;
	[tilespmem:$0x16800] =	vst v63  }
0x4c: {  	s5 =	rddreg [dreg:$0xa]  }
0x4d: {  	[tilespmem:s5], [sflag:$0x3] =	stream.indirect_vreg.gather [hbm4b:s2+s4], $0x80, v3, vm0, $0xb8;
	[tilespmem:$0x16800] =	vst v63  }
0x4e: {  	s13 =	rddreg [dreg:$0xb]  }
0x4f: {  	[tilespmem:s13], [sflag:$0x3] =	stream.indirect_vreg.gather [hbm4b:s7+s4], $0x80, v3, vm1, $0xb8;
	[tilespmem:$0x16800] =	vst v63  }
0x50: {  	v3 =	vld [tilespmem:s8+$0x20];
	_ =	sdelay $0x4  }
0x51: {  	v58 =	vshrl.u32 v3, $0x3  }
0x52: {  	v4 =	vmul.u32 $0x18, v58  }
0x53: {  	v3 =	vand.u32 $0x7, v3  }
0x54: {  	v3 =	vor.u32 v3, v4  }
0x55: {  	v4 =	vperm.xlane v3, v0;
	_ =	sdelay $0x1  }
0x56: {  	v4 =	vadd.s32 v1, v4;
	_ =	sdelay $0x1  }
0x57: {  	v3 =	vperm.xlane v3, v2;
	_ =	sdelay $0x1  }
0x58: {  	s5 =	rddreg [dreg:$0xc];
	v3 =	vadd.s32 v1, v3  }
0x59: {  	[tilespmem:s5], [sflag:$0x3] =	stream.indirect_vreg.gather [hbm4b:s2+s4], $0x80, v4, vm0, $0xb8;
	[tilespmem:$0x16800] =	vst v63  }
0x5a: {  	s13 =	rddreg [dreg:$0xd]  }
0x5b: {  	[tilespmem:s13], [sflag:$0x3] =	stream.indirect_vreg.gather [hbm4b:s7+s4], $0x80, v4, vm1, $0xb8;
	[tilespmem:$0x16800] =	vst v63  }
0x5c: {  	s5 =	rddreg [dreg:$0xe]  }
0x5d: {  	[tilespmem:s5], [sflag:$0x3] =	stream.indirect_vreg.gather [hbm4b:s2+s4], $0x80, v3, vm0, $0xb8;
	[tilespmem:$0x16800] =	vst v63  }
0x5e: {  	s13 =	rddreg [dreg:$0xf]  }
0x5f: {  	[tilespmem:s13], [sflag:$0x3] =	stream.indirect_vreg.gather [hbm4b:s7+s4], $0x80, v3, vm1, $0xb8;
	[tilespmem:$0x16800] =	vst v63  }
0x60: {  	v3 =	vld [tilespmem:s8+$0x30];
	_ =	sdelay $0x4  }
0x61: {  	v59 =	vshrl.u32 v3, $0x3  }
0x62: {  	v4 =	vmul.u32 $0x18, v59  }
0x63: {  	v3 =	vand.u32 $0x7, v3  }
0x64: {  	v3 =	vor.u32 v3, v4  }
0x65: {  	v4 =	vperm.xlane v3, v0;
	_ =	sdelay $0x1  }
0x66: {  	v4 =	vadd.s32 v1, v4;
	_ =	sdelay $0x1  }
0x67: {  	v3 =	vperm.xlane v3, v2;
	_ =	sdelay $0x1  }
0x68: {  	s5 =	rddreg [dreg:$0x10];
	v3 =	vadd.s32 v1, v3  }
0x69: {  	[tilespmem:s5], [sflag:$0x3] =	stream.indirect_vreg.gather [hbm4b:s2+s4], $0x80, v4, vm0, $0xb8;
	[tilespmem:$0x16800] =	vst v63  }
0x6a: {  	s13 =	rddreg [dreg:$0x11]  }
0x6b: {  	[tilespmem:s13], [sflag:$0x3] =	stream.indirect_vreg.gather [hbm4b:s7+s4], $0x80, v4, vm1, $0xb8;
	[tilespmem:$0x16800] =	vst v63  }
0x6c: {  	s5 =	rddreg [dreg:$0x12]  }
0x6d: {  	[tilespmem:s5], [sflag:$0x3] =	stream.indirect_vreg.gather [hbm4b:s2+s4], $0x80, v3, vm0, $0xb8;
	[tilespmem:$0x16800] =	vst v63  }
0x6e: {  	s13 =	rddreg [dreg:$0x13]  }
0x6f: {  	[tilespmem:s13], [sflag:$0x3] =	stream.indirect_vreg.gather [hbm4b:s7+s4], $0x80, v3, vm1, $0xb8;
	[tilespmem:$0x16800] =	vst v63  }
0x70: {  	v3 =	vld [tilespmem:s8+$0x40];
	_ =	sdelay $0x4  }
0x71: {  	v60 =	vshrl.u32 v3, $0x3  }
0x72: {  	v4 =	vmul.u32 $0x18, v60  }
0x73: {  	v3 =	vand.u32 $0x7, v3  }
0x74: {  	v3 =	vor.u32 v3, v4  }
0x75: {  	v4 =	vperm.xlane v3, v0;
	_ =	sdelay $0x1  }
0x76: {  	v4 =	vadd.s32 v1, v4;
	_ =	sdelay $0x1  }
0x77: {  	v3 =	vperm.xlane v3, v2;
	_ =	sdelay $0x1  }
0x78: {  	s5 =	rddreg [dreg:$0x14];
	v3 =	vadd.s32 v1, v3  }
0x79: {  	[tilespmem:s5], [sflag:$0x3] =	stream.indirect_vreg.gather [hbm4b:s2+s4], $0x80, v4, vm0, $0xb8;
	[tilespmem:$0x16800] =	vst v63  }
0x7a: {  	s13 =	rddreg [dreg:$0x15]  }
0x7b: {  	[tilespmem:s13], [sflag:$0x3] =	stream.indirect_vreg.gather [hbm4b:s7+s4], $0x80, v4, vm1, $0xb8;
	[tilespmem:$0x16800] =	vst v63  }
0x7c: {  	s5 =	rddreg [dreg:$0x16]  }
0x7d: {  	[tilespmem:s5], [sflag:$0x3] =	stream.indirect_vreg.gather [hbm4b:s2+s4], $0x80, v3, vm0, $0xb8;
	[tilespmem:$0x16800] =	vst v63  }
0x7e: {  	s13 =	rddreg [dreg:$0x17]  }
0x7f: {  	[tilespmem:s13], [sflag:$0x3] =	stream.indirect_vreg.gather [hbm4b:s7+s4], $0x80, v3, vm1, $0xb8;
	[tilespmem:$0x16800] =	vst v63  }
0x80: {  	v3 =	vld [tilespmem:s8+$0x50];
	_ =	sdelay $0x4  }
0x81: {  	v61 =	vshrl.u32 v3, $0x3  }
0x82: {  	v4 =	vmul.u32 $0x18, v61  }
0x83: {  	v3 =	vand.u32 $0x7, v3  }
0x84: {  	v3 =	vor.u32 v3, v4  }
0x85: {  	v4 =	vperm.xlane v3, v0;
	_ =	sdelay $0x1  }
0x86: {  	v4 =	vadd.s32 v1, v4;
	_ =	sdelay $0x1  }
0x87: {  	v3 =	vperm.xlane v3, v2;
	_ =	sdelay $0x1  }
0x88: {  	s5 =	rddreg [dreg:$0x18];
	v3 =	vadd.s32 v1, v3  }
0x89: {  	[tilespmem:s5], [sflag:$0x3] =	stream.indirect_vreg.gather [hbm4b:s2+s4], $0x80, v4, vm0, $0xb8;
	[tilespmem:$0x16800] =	vst v63  }
0x8a: {  	s13 =	rddreg [dreg:$0x19]  }
0x8b: {  	[tilespmem:s13], [sflag:$0x3] =	stream.indirect_vreg.gather [hbm4b:s7+s4], $0x80, v4, vm1, $0xb8;
	[tilespmem:$0x16800] =	vst v63  }
0x8c: {  	_ = 	snop  }
0x8d: {  	[tilespmem:s18], [sflag:$0x3] =	stream.indirect_vreg.gather [hbm4b:s2+s4], $0x80, v3, vm0, $0xb8;
	[tilespmem:$0x16800] =	vst v63  }
0x8e: {  	_ = 	snop  }
0x8f: {  	[tilespmem:s19], [sflag:$0x3] =	stream.indirect_vreg.gather [hbm4b:s7+s4], $0x80, v3, vm1, $0xb8;
	[tilespmem:$0x16800] =	vst v63  }
0x90: {  	v3 =	vld [tilespmem:s8+$0x60];
	_ =	sdelay $0x4  }
0x91: {  	v62 =	vshrl.u32 v3, $0x3  }
0x92: {  	v4 =	vmul.u32 $0x18, v62  }
0x93: {  	v3 =	vand.u32 $0x7, v3  }
0x94: {  	v3 =	vor.u32 v3, v4  }
0x95: {  	v4 =	vperm.xlane v3, v0;
	_ =	sdelay $0x1  }
0x96: {  	v4 =	vadd.s32 v1, v4;
	_ =	sdelay $0x1  }
0x97: {  	v3 =	vperm.xlane v3, v2;
	_ =	sdelay $0x1  }
0x98: {  	v3 =	vadd.s32 v1, v3  }
0x99: {  	[tilespmem:s20], [sflag:$0x3] =	stream.indirect_vreg.gather [hbm4b:s2+s4], $0x80, v4, vm0, $0xb8;
	[tilespmem:$0x16800] =	vst v63  }
0x9a: {  	_ = 	snop  }
0x9b: {  	[tilespmem:s21], [sflag:$0x3] =	stream.indirect_vreg.gather [hbm4b:s7+s4], $0x80, v4, vm1, $0xb8;
	[tilespmem:$0x16800] =	vst v63  }
0x9c: {  	_ = 	snop  }
0x9d: {  	[tilespmem:s22], [sflag:$0x3] =	stream.indirect_vreg.gather [hbm4b:s2+s4], $0x80, v3, vm0, $0xb8;
	[tilespmem:$0x16800] =	vst v63  }
0x9e: {  	_ = 	snop  }
0x9f: {  	[tilespmem:s23], [sflag:$0x3] =	stream.indirect_vreg.gather [hbm4b:s7+s4], $0x80, v3, vm1, $0xb8;
	[tilespmem:$0x16800] =	vst v63  }
0xa0: {  	v3 =	vld [tilespmem:s8+$0x70];
	_ =	sdelay $0x4  }
0xa1: {  	v63 =	vshrl.u32 v3, $0x3  }
0xa2: {  	v4 =	vmul.u32 $0x18, v63  }
0xa3: {  	v3 =	vand.u32 $0x7, v3  }
0xa4: {  	v3 =	vor.u32 v3, v4  }
0xa5: {  	v4 =	vperm.xlane v3, v0;
	_ =	sdelay $0x1  }
0xa6: {  	v4 =	vadd.s32 v1, v4;
	_ =	sdelay $0x1  }
0xa7: {  	v3 =	vperm.xlane v3, v2;
	_ =	sdelay $0x1  }
0xa8: {  	v3 =	vadd.s32 v1, v3  }
0xa9: {  	[tilespmem:s24], [sflag:$0x3] =	stream.indirect_vreg.gather [hbm4b:s2+s4], $0x80, v4, vm0, $0xb8;
	[tilespmem:$0x16800] =	vst v63  }
0xaa: {  	_ = 	snop  }
0xab: {  	[tilespmem:s25], [sflag:$0x3] =	stream.indirect_vreg.gather [hbm4b:s7+s4], $0x80, v4, vm1, $0xb8;
	[tilespmem:$0x16800] =	vst v63  }
0xac: {  	_ = 	snop  }
0xad: {  	[tilespmem:s26], [sflag:$0x3] =	stream.indirect_vreg.gather [hbm4b:s2+s4], $0x80, v3, vm0, $0xb8;
	[tilespmem:$0x16800] =	vst v63  }
0xae: {  	_ = 	snop  }
0xaf: {  	[tilespmem:s28], [sflag:$0x3] =	stream.indirect_vreg.gather [hbm4b:s7+s4], $0x80, v3, vm1, $0xb8;
	[tilespmem:$0x16800] =	vst v63  }
0xb0: {  	_ =	swait.ge [sflag:s29], $0x4000  }
0xb1: {  	[sflag:s29] =	ssyncset.done $0x0  }
0xb2: {  	[sflag:s29] =	ssyncadd.s32 $0xFFFFC000  }
0xb3: {  	_ =	swait.ge [sflag:s30], $0x4000  }
0xb4: {  	[sflag:s30] =	ssyncset.done $0x0  }
0xb5: {  	[sflag:s30] =	ssyncadd.s32 $0xFFFFC000  }
0xb6: {  	_ =	swait.ge [sflag:s31], $0xC000  }
0xb7: {  	[sflag:s31] =	ssyncset.done $0x0  }
0xb8: {  	[sflag:s31] =	ssyncadd.s32 $0xFFFF4000  }
0xb9: {  	[hbm4b:s9+s4] =	stream.linear.scatter [tilespmem:s15], [sflag:$0x4], $0x4000, $0x38;
	[tilespmem:$0x16800] =	vst v63  }
0xba: {  	_ =	swait.ge [sflag:s12], $0x4000  }
0xbb: {  	[sflag:s12] =	ssyncset.done $0x0  }
0xbc: {  	[sflag:s12] =	ssyncadd.s32 $0xFFFFC000  }
0xbd: {  	[hbm4b:s10+s4] =	stream.linear.scatter [tilespmem:s16], [sflag:$0x4], $0x4000, $0x38;
	[tilespmem:$0x16800] =	vst v63  }
0xbe: {  	_ =	swait.ge [sflag:s12], $0x4000  }
0xbf: {  	p0 =	sne.s32 s6, $0x4E00;
	[sflag:s12] =	ssyncset.done $0x0  }
.Ltmp0:
0xc0: {  	[sflag:s12] =	ssyncadd.s32 $0xFFFFC000;
	(pc) =	sbr.rel @p0 .LBB2_2-.Ltmp0, $4  }
0xc1: {  	[hbm4b:s11+s4] =	stream.linear.scatter [tilespmem:s17], [sflag:$0x4], $0xC000, $0x38;
	[tilespmem:$0x16800] =	vst v63  }
0xc2: {  	_ =	swait.ge [sflag:s12], $0xC000  }
0xc3: {  	s6 =	sadd.s32 $0x200, s6;
	s9 =	sadd.s32 $0x800, s9;
	[sflag:s12] =	ssyncset.done $0x0  }
0xc4: {  	s10 =	sadd.s32 $0x800, s10;
	s11 =	sadd.s32 $0x1800, s11;
	[sflag:s12] =	ssyncadd.s32 $0xFFFF4000  }
0xc5: {  	s3 =	sadd.s32 $0x1, s3;
	s5 =	rddreg [dreg:$0x1c]  }
0xc6: {  	p0 =	sne.s32 s3, s5  }
.Ltmp1:
0xc7: {  	_ = 	snop;
	(pc) =	sbr.rel @p0 .LBB2_1-.Ltmp1, $1  }
0xc8: {  	_ =	sdelay $0x3  }
0xc9: {  	_ =	sfence.sel $0x180000  }
0xca: {  	[bflag:$0x0] =	sbarrier.arrive $0xFFFF  }
0xcb: {  	_ =	strace $0x90000047  }
0xcc: {  	s0 =	stileid.u32;
	[bflag:$0x2] =	sbarrier.arrive $0xFFFF  }
0xcd: {  	p0 =	sne.s32 s0, $0x0;
	s0 =	rddreg [dreg:$0x4]  }
0xce: {  	s0 =	sadd.s32 @!p0 $0x100000, s0  }
0xcf: {  	[sflag:s0] =	ssyncadd.tile.s32 @!p0 $0x1;
	_ =	shalt  }
.Lfunc_end2:
_tile_overlayer_lowered:
.L_overlay_start_2:
0xd0: {  	(tag) =	ssettag $0x2  }
0xd1: {  	s0 =	rddreg [dreg:$0x0];
	s2 =	stileid.u32  }
0xd2: {  	s1 =	rddreg [dreg:$0x1];
	p0 =	sne.s32 s2, $0x0  }
0xd3: {  	s3 =	rddreg [dreg:$0x2];
	[bflag:$0x3] =	sbarrier.arrive $0xFFFF;
	s2 =	simm.s32 @!p0 $0x1C04  }
0xd4: {  	[timem:s3], [sflag:s2] =	dma.local @!p0 [hbm:s0], s1  }
0xd5: {  	s0 =	simm.s32 @!p0 $0x4  }
0xd6: {  	_ =	swait.ge @!p0 [sflag:s0], s1  }
0xd7: {  	s1 =	ssub.s32 @!p0 $0x0, s1;
	[sflag:s0] =	ssyncset.done @!p0 $0x0  }
0xd8: {  	[sflag:s0] =	ssyncadd.s32 @!p0 s1  }
0xd9: {  	[bflag:$0x3] =	sbarrier.arrive $0xFFFF  }
0xda: {  	_ =	shalt  }

</sc_bundles>
